<compile_context>
chip_gen: v7x
topology: tpu7x:2x2x1
jax: 0.10.2.dev20260603
libtpu: 0.0.44.dev20260713+nightly
codegen_flags: <defaults>
</compile_context>

<pallas_src>
import functools

import jax
import jax.numpy as jnp
from jax import lax
from jax.experimental import pallas as pl
from jax.experimental.pallas import tpu as pltpu
from jax.experimental.pallas import tpu_sc as plsc

N = 50000
E = 800000

NC = 2
NS = 16
NW = NC * NS

CHA = 1600
NCH_A = E // CHA
CHC = 3200
NCH_C = E // CHC
CHC_PER_SC = NCH_C // NC

BR_B = 400
RB_D = 400

_mesh = plsc.VectorSubcoreMesh(core_axis_name="c", subcore_axis_name="s")


@functools.partial(
    pl.kernel,
    mesh=_mesh,
    compiler_params=pltpu.CompilerParams(needs_layout_passes=False, use_tc_tiling_on_sc=False),
    out_type=jax.ShapeDtypeStruct((E, 8), jnp.float32),
    scratch_types=[
        pltpu.VMEM((2 * N,), jnp.float32),
        pltpu.VMEM((CHA,), jnp.int32),
        pltpu.VMEM((CHA,), jnp.int32),
        pltpu.VMEM((CHA,), jnp.float32),
        pltpu.VMEM((CHA, 8), jnp.float32),
    ],
)
def _gather_stage(x_hbm, src_hbm, dst_hbm, ea_hbm, g_hbm,
                  x_v, src_v, dst_v, ea_v, rows_v):
    c = lax.axis_index("c")
    s = lax.axis_index("s")
    wid = s * NC + c
    pltpu.sync_copy(x_hbm, x_v)

    col0 = jnp.zeros((16,), jnp.int32)
    col1 = jnp.ones((16,), jnp.int32)
    ones_f = jnp.ones((16,), jnp.float32)
    iota = lax.iota(jnp.int32, 16)

    def do_chunk(cid):
        base = cid * CHA
        pltpu.sync_copy(src_hbm.at[pl.ds(base, CHA)], src_v)
        pltpu.sync_copy(dst_hbm.at[pl.ds(base, CHA)], dst_v)
        pltpu.sync_copy(ea_hbm.at[pl.ds(base, CHA)], ea_v)

        def grp(j, carry):
            off = j * 16
            si = src_v[pl.ds(off, 16)]
            di = dst_v[pl.ds(off, 16)]
            eav = ea_v[pl.ds(off, 16)]
            si2 = si + si
            di2 = di + di
            xs0 = plsc.load_gather(x_v, [si2])
            xs1 = plsc.load_gather(x_v, [si2 + 1])
            xd0 = plsc.load_gather(x_v, [di2])
            xd1 = plsc.load_gather(x_v, [di2 + 1])
            rowi = off + iota
            plsc.store_scatter(rows_v, [rowi, col0], xs0)
            plsc.store_scatter(rows_v, [rowi, col1], xs1)
            plsc.store_scatter(rows_v, [rowi, col0 + 2], xd0)
            plsc.store_scatter(rows_v, [rowi, col1 + 2], xd1)
            plsc.store_scatter(rows_v, [rowi, col0 + 4], eav)
            plsc.store_scatter(rows_v, [rowi, col1 + 4], ones_f)
            return carry

        lax.fori_loop(0, CHA // 16, grp, 0)
        pltpu.sync_copy(rows_v, g_hbm.at[pl.ds(base, CHA)])

    def chunk_iter(i, carry):
        cid = wid + i * NW

        @pl.when(cid < NCH_A)
        def _go():
            do_chunk(cid)

        return carry

    lax.fori_loop(0, (NCH_A + NW - 1) // NW, chunk_iter, 0)


@functools.partial(
    pl.kernel,
    mesh=_mesh,
    compiler_params=pltpu.CompilerParams(needs_layout_passes=False, use_tc_tiling_on_sc=False),
    out_type=(
        jax.ShapeDtypeStruct((N, 8), jnp.float32),
        jax.ShapeDtypeStruct((N, 8), jnp.float32),
    ),
    scratch_types=[
        pltpu.VMEM_SHARED((N, 8), jnp.float32),
        pltpu.VMEM((CHC, 8), jnp.float32),
        pltpu.VMEM((CHC,), jnp.int32),
    ],
)
def _scatter_stage(p_hbm, dst_hbm, zeros_hbm, t0_hbm, t1_hbm,
                   table_sh, rows_v, idx_v):
    c = lax.axis_index("c")
    s = lax.axis_index("s")
    zr = N // NS
    pltpu.sync_copy(zeros_hbm.at[pl.ds(s * zr, zr)],
                    table_sh.at[pl.ds(s * zr, zr)])
    plsc.subcore_barrier()

    def chunk_iter(i, carry):
        cid = c * CHC_PER_SC + s + NS * i

        @pl.when(cid < (c + 1) * CHC_PER_SC)
        def _go():
            base = cid * CHC
            pltpu.sync_copy(p_hbm.at[pl.ds(base, CHC)], rows_v)
            pltpu.sync_copy(dst_hbm.at[pl.ds(base, CHC)], idx_v)
            pltpu.sync_copy(rows_v, table_sh.at[idx_v], add=True)

        return carry

    lax.fori_loop(0, (CHC_PER_SC + NS - 1) // NS, chunk_iter, 0)
    plsc.subcore_barrier()

    @pl.when(c == 0)
    def _():
        pltpu.sync_copy(table_sh.at[pl.ds(s * zr, zr)],
                        t0_hbm.at[pl.ds(s * zr, zr)])

    @pl.when(c == 1)
    def _():
        pltpu.sync_copy(table_sh.at[pl.ds(s * zr, zr)],
                        t1_hbm.at[pl.ds(s * zr, zr)])


def _edge_dense_body(g_ref, kb_ref, ab_ref, bb_ref, p_ref):
    g = g_ref[...]
    z = jnp.dot(g, kb_ref[...], preferred_element_type=jnp.float32)
    l = jnp.maximum(z, 0.2 * z)
    ap = jnp.dot(l, ab_ref[...], preferred_element_type=jnp.float32)
    q = jnp.dot(g, bb_ref[...], preferred_element_type=jnp.float32)
    p_ref[...] = jnp.exp(ap) * q


def _node_dense_body(t0_ref, t1_ref, m_ref, s_ref, bo_ref, msg_ref,
                     wfc_ref, bfc_ref, exps_ref, colsum_ref):
    i = pl.program_id(0)
    t = t0_ref[...] + t1_ref[...]
    numer = jnp.dot(t, m_ref[...], preferred_element_type=jnp.float32)
    denom = jnp.dot(t, s_ref[...], preferred_element_type=jnp.float32) + 1e-16
    h = jnp.maximum(numer / denom + bo_ref[...], 0.0)
    e1 = jnp.dot(msg_ref[...], wfc_ref[...],
                 preferred_element_type=jnp.float32) + bfc_ref[...]
    d1 = lax.dot_general(h, e1, (((1,), (1,)), ((), ())),
                         preferred_element_type=jnp.float32)
    expd = jnp.exp(d1)
    exps_ref[...] = expd

    @pl.when(i == 0)
    def _():
        colsum_ref[...] = jnp.zeros_like(colsum_ref)

    colsum_ref[...] += jnp.sum(expd, axis=0, keepdims=True)


def _normalize_body(exps_ref, colsum_ref, out_ref):
    p = exps_ref[...] / colsum_ref[...]
    out_ref[...] = jnp.concatenate([p, p], axis=1)


def kernel(message, x, edge_index, edge_attr, Wl1, bl1, Wr1, br1, We1, att1,
           bo1, Wl2, bl2, Wr2, br2, We2, att2, bo2, Wfc, bfc):
    f32 = jnp.float32
    src = edge_index[0].astype(jnp.int32)
    dst = edge_index[1].astype(jnp.int32)
    ea = edge_attr.reshape(E)

    coef8 = jnp.concatenate(
        [Wl2, Wr2, We2, (bl2 + br2)[None], jnp.zeros((2, 64), f32)], axis=0)
    attf = att2.reshape(64)
    hmask = jnp.arange(64) < 32
    a0 = jnp.where(hmask, attf, 0.0)
    a1 = jnp.where(hmask, 0.0, attf)
    a2_8 = jnp.stack([a0, a1, a0, a1, a0, a1, a0, a1], axis=1)
    b8 = jnp.zeros((8, 8), f32)
    b8 = b8.at[5, 0].set(1.0).at[5, 1].set(1.0)
    b8 = b8.at[0, 2].set(1.0).at[0, 3].set(1.0)
    b8 = b8.at[1, 4].set(1.0).at[1, 5].set(1.0)
    b8 = b8.at[5, 6].set(1.0).at[5, 7].set(1.0)

    m8 = jnp.zeros((8, 64), f32)
    m8 = m8.at[0].set(jnp.where(hmask, bl2, 0.0))
    m8 = m8.at[1].set(jnp.where(hmask, 0.0, bl2))
    m8 = m8.at[2].set(jnp.where(hmask, Wl2[0], 0.0))
    m8 = m8.at[3].set(jnp.where(hmask, 0.0, Wl2[0]))
    m8 = m8.at[4].set(jnp.where(hmask, Wl2[1], 0.0))
    m8 = m8.at[5].set(jnp.where(hmask, 0.0, Wl2[1]))
    s8 = jnp.zeros((8, 64), f32)
    s8 = s8.at[0].set(jnp.where(hmask, 1.0, 0.0))
    s8 = s8.at[1].set(jnp.where(hmask, 0.0, 1.0))

    zeros_tab = jnp.zeros((N, 8), f32)

    g = _gather_stage(x.reshape(2 * N), src, dst, ea)

    g16 = g.reshape(E // 16, 128)
    eye16 = jnp.eye(16, dtype=f32)
    kb = jnp.kron(eye16, coef8)
    ab = jnp.kron(eye16, a2_8)
    bb = jnp.kron(eye16, b8)

    p16 = pl.pallas_call(
        _edge_dense_body,
        grid=(E // 16 // BR_B,),
        in_specs=[
            pl.BlockSpec((BR_B, 128), lambda i: (i, 0)),
            pl.BlockSpec((128, 1024), lambda i: (0, 0)),
            pl.BlockSpec((1024, 128), lambda i: (0, 0)),
            pl.BlockSpec((128, 128), lambda i: (0, 0)),
        ],
        out_specs=pl.BlockSpec((BR_B, 128), lambda i: (i, 0)),
        out_shape=jax.ShapeDtypeStruct((E // 16, 128), f32),
    )(g16, kb, ab, bb)

    t0, t1 = _scatter_stage(p16.reshape(E, 8), dst, zeros_tab)

    exps, colsum = pl.pallas_call(
        _node_dense_body,
        grid=(N // RB_D,),
        in_specs=[
            pl.BlockSpec((RB_D, 8), lambda i: (i, 0)),
            pl.BlockSpec((RB_D, 8), lambda i: (i, 0)),
            pl.BlockSpec((8, 64), lambda i: (0, 0)),
            pl.BlockSpec((8, 64), lambda i: (0, 0)),
            pl.BlockSpec((1, 64), lambda i: (0, 0)),
            pl.BlockSpec((16, 128), lambda i: (0, 0)),
            pl.BlockSpec((128, 64), lambda i: (0, 0)),
            pl.BlockSpec((1, 64), lambda i: (0, 0)),
        ],
        out_specs=[
            pl.BlockSpec((RB_D, 16), lambda i: (i, 0)),
            pl.BlockSpec((1, 16), lambda i: (0, 0)),
        ],
        out_shape=[
            jax.ShapeDtypeStruct((N, 16), f32),
            jax.ShapeDtypeStruct((1, 16), f32),
        ],
    )(t0, t1, m8, s8, bo2[None], message, Wfc, bfc[None])

    probs = pl.pallas_call(
        _normalize_body,
        grid=(N // RB_D,),
        in_specs=[
            pl.BlockSpec((RB_D, 16), lambda i: (i, 0)),
            pl.BlockSpec((1, 16), lambda i: (0, 0)),
        ],
        out_specs=pl.BlockSpec((RB_D, 32), lambda i: (i, 0)),
        out_shape=jax.ShapeDtypeStruct((N, 32), f32),
    )(exps, colsum)

    return probs

# --- scband reference (transcript-rebuilt; emitter-appended) ---
"""Pipeline reference for scband-receiver-61083024884023 (READ-ONLY COPY).

The authoritative reference and input builder live on the scoring server;
editing this copy changes nothing except your own understanding.
"""

import jax, jax.numpy as jnp
import numpy as np

N = 50000
E = 800000
H = 2
C = 32
HID = 128
B = 16
IN_DIM = 2
EDGE_DIM = 1


def _gatv2(x, src, dst, edge_attr, Wl, bl, Wr, br, We, att, bias):
    # GATv2Conv: lin_l on source, lin_r on target, lin_edge on edge_attr
    xl = (x @ Wl + bl).reshape(-1, H, C)
    xr = (x @ Wr + br).reshape(-1, H, C)
    e = (edge_attr @ We).reshape(-1, H, C)
    m = xl[src] + xr[dst] + e
    m = jax.nn.leaky_relu(m, 0.2)
    alpha = jnp.sum(m * att[None], axis=-1)  # [E, H]
    amax = jax.ops.segment_max(alpha, dst, num_segments=N)
    amax = jnp.where(jnp.isfinite(amax), amax, 0.0)
    amax = jax.lax.stop_gradient(amax)
    ex = jnp.exp(alpha - amax[dst])
    s = jax.ops.segment_sum(ex, dst, num_segments=N)
    a = ex / (s[dst] + 1e-16)
    out = jax.ops.segment_sum(xl[src] * a[..., None], dst, num_segments=N)
    return out.reshape(N, H * C) + bias


def setup_inputs(seed: int = 0) -> dict:
    key = jax.random.key(seed)
    ks = jax.random.split(key, 24)
    inp = {}
    inp["message"] = jax.random.normal(ks[0], (B, HID), dtype=jnp.float32)
    inp["x"] = jax.random.normal(ks[1], (N, IN_DIM), dtype=jnp.float32)
    inp["edge_index"] = jax.random.randint(ks[2], (2, E), 0, N, dtype=jnp.int64)
    inp["edge_attr"] = jax.random.normal(ks[3], (E, EDGE_DIM), dtype=jnp.float32)
    sc = 0.1
    # conv1 params
    inp["Wl1"] = jax.random.normal(ks[4], (IN_DIM, H * C), dtype=jnp.float32) * sc
    inp["bl1"] = jnp.zeros((H * C,), dtype=jnp.float32)
    inp["Wr1"] = jax.random.normal(ks[5], (IN_DIM, H * C), dtype=jnp.float32) * sc
    inp["br1"] = jnp.zeros((H * C,), dtype=jnp.float32)
    inp["We1"] = jax.random.normal(ks[6], (EDGE_DIM, H * C), dtype=jnp.float32) * sc
    inp["att1"] = jax.random.normal(ks[7], (H, C), dtype=jnp.float32) * sc
    inp["bo1"] = jnp.zeros((H * C,), dtype=jnp.float32)
    # conv2 params (lazy in_channels=-1 resolves to IN_DIM since forward feeds x again)
    inp["Wl2"] = jax.random.normal(ks[8], (IN_DIM, H * C), dtype=jnp.float32) * sc
    inp["bl2"] = jnp.zeros((H * C,), dtype=jnp.float32)
    inp["Wr2"] = jax.random.normal(ks[9], (IN_DIM, H * C), dtype=jnp.float32) * sc
    inp["br2"] = jnp.zeros((H * C,), dtype=jnp.float32)
    inp["We2"] = jax.random.normal(ks[10], (EDGE_DIM, H * C), dtype=jnp.float32) * sc
    inp["att2"] = jax.random.normal(ks[11], (H, C), dtype=jnp.float32) * sc
    inp["bo2"] = jnp.zeros((H * C,), dtype=jnp.float32)
    # fc: Linear(hidden_size=128 -> embedding_size*heads=64)
    inp["Wfc"] = jax.random.normal(ks[12], (HID, H * C), dtype=jnp.float32) * sc
    inp["bfc"] = jnp.zeros((H * C,), dtype=jnp.float32)
    return inp


def reference(message, x, edge_index, edge_attr, Wl1, bl1, Wr1, br1, We1, att1, bo1, Wl2, bl2, Wr2, br2, We2, att2, bo2, Wfc, bfc):
    src = edge_index[0]
    dst = edge_index[1]
    h = _gatv2(x, src, dst, edge_attr, Wl1, bl1, Wr1, br1, We1, att1, bo1)
    h = jax.nn.relu(h)
    # NOTE: original module feeds x (not h) into conv2 -- faithful reproduction
    h = _gatv2(x, src, dst, edge_attr, Wl2, bl2, Wr2, br2, We2, att2, bo2)
    h = jax.nn.relu(h)
    msg2 = jnp.concatenate([message, message], axis=0)
    emb = msg2 @ Wfc + bfc
    dot = h @ emb.T
    probabilities = jax.nn.softmax(dot, axis=0)
    return probabilities

if __name__ == "__main__":
    import jax
    _d = setup_inputs()
    print(jax.jit(kernel)(*tuple(_d.values())))

</pallas_src>

<mosaic_0001>
#map = affine_map<(d0, d1) -> (0)>
#map1 = affine_map<(d0, d1) -> (0, 0)>
module attributes {stable_mosaic.version = 14 : i64} {
  func.func @_gather_stage(%arg0: i32, %arg1: i32, %arg2: memref<100000xf32, #tpu.memory_space<hbm>>, %arg3: memref<800000xi32, #tpu.memory_space<hbm>>, %arg4: memref<800000xi32, #tpu.memory_space<hbm>>, %arg5: memref<800000xf32, #tpu.memory_space<hbm>>, %arg6: memref<800000x8xf32, #tpu.memory_space<hbm>>, %arg7: memref<100000xf32, #tpu.memory_space<vmem>>, %arg8: memref<1600xi32, #tpu.memory_space<vmem>>, %arg9: memref<1600xi32, #tpu.memory_space<vmem>>, %arg10: memref<1600xf32, #tpu.memory_space<vmem>>, %arg11: memref<1600x8xf32, #tpu.memory_space<vmem>>) attributes {dimension_semantics = [#tpu.dimension_semantics<core_parallel>, #tpu.dimension_semantics<subcore_parallel>], iteration_bounds = array<i64: 2, 16>, scalar_prefetch = 0 : i64, scratch_operands = 5 : i64, tpu.core_type = #tpu.core_type<sc_vector_subcore>, window_params = [{transform_indices = #map}, {transform_indices = #map}, {transform_indices = #map}, {transform_indices = #map}, {transform_indices = #map1}]} {
    %mul3A = arith.constant 2 : i32
    %mul3A_0 = arith.muli %arg1, %mul3A : i32
    %add3A = arith.addi %mul3A_0, %arg0 : i32
    "tpu.region"() ({
      %run_scoped3A = tpu.sem_alloc : memref<!tpu.dma_semaphore, #tpu.memory_space<semaphore_mem>>
      tpu.enqueue_dma source(%arg2 : memref<100000xf32, #tpu.memory_space<hbm>>) target(%arg7 : memref<100000xf32, #tpu.memory_space<vmem>>) target_semaphore(%run_scoped3A : memref<!tpu.dma_semaphore, #tpu.memory_space<semaphore_mem>>)
      tpu.wait_dma2 semaphore(%run_scoped3A : memref<!tpu.dma_semaphore, #tpu.memory_space<semaphore_mem>>) src(%arg2 : memref<100000xf32, #tpu.memory_space<hbm>>) dst(%arg7 : memref<100000xf32, #tpu.memory_space<vmem>>)
      tpu.yield
    }) : () -> ()
    %broadcast_in_dim3A = arith.constant 0 : i32
    %broadcast_in_dim3A_1 = vector.broadcast %broadcast_in_dim3A : i32 to vector<16xi32>
    %broadcast_in_dim3A_2 = arith.constant 1 : i32
    %broadcast_in_dim3A_3 = vector.broadcast %broadcast_in_dim3A_2 : i32 to vector<16xi32>
    %broadcast_in_dim3A_4 = arith.constant 1.000000e+00 : f32
    %broadcast_in_dim3A_5 = vector.broadcast %broadcast_in_dim3A_4 : f32 to vector<16xf32>
    %iota3A = tpu.iota {dimensions = array<i32: 0>} : vector<16xi32>
    %scan3A = arith.constant 0 : i32
    %scan3A_6 = arith.constant 0 : i32
    %scan3A_7 = arith.constant 16 : i32
    %scan3A_8 = arith.addi %scan3A_6, %scan3A_7 : i32
    %scan3A_9 = arith.constant 1 : i32
    scf.for %scan3A_11 = %scan3A_6 to %scan3A_8 step %scan3A_9  : i32 {
      %mul3A_12 = arith.constant 32 : i32
      %mul3A_13 = arith.muli %scan3A_11, %mul3A_12 : i32
      %add3A_14 = arith.addi %add3A, %mul3A_13 : i32
      %lt3A = arith.constant 500 : i32
      %lt3A_15 = arith.cmpi slt, %add3A_14, %lt3A : i32
      %convert_element_type3A = arith.extui %lt3A_15 : i1 to i32
      %cond3A = arith.constant 0 : i32
      %cond3A_16 = arith.cmpi ne, %convert_element_type3A, %cond3A : i32
      scf.if %cond3A_16 {
        %mul3A_17 = arith.constant 1600 : i32
        %mul3A_18 = arith.muli %add3A_14, %mul3A_17 : i32
        "tpu.region"() ({
          %run_scoped3A = tpu.sem_alloc : memref<!tpu.dma_semaphore, #tpu.memory_space<semaphore_mem>>
          %dma_start3A = tpu.memref_slice %arg3[%mul3A_18] : memref<800000xi32, #tpu.memory_space<hbm>> -> memref<1600xi32, #tpu.memory_space<hbm>>
          %dma_start3A_25 = tpu.memref_slice %arg3[%mul3A_18] : memref<800000xi32, #tpu.memory_space<hbm>> -> memref<1600xi32, #tpu.memory_space<hbm>>
          tpu.enqueue_dma source(%dma_start3A_25 : memref<1600xi32, #tpu.memory_space<hbm>>) target(%arg8 : memref<1600xi32, #tpu.memory_space<vmem>>) target_semaphore(%run_scoped3A : memref<!tpu.dma_semaphore, #tpu.memory_space<semaphore_mem>>)
          %dma_wait3A = tpu.memref_slice %arg3[%mul3A_18] : memref<800000xi32, #tpu.memory_space<hbm>> -> memref<1600xi32, #tpu.memory_space<hbm>>
          %dma_wait3A_26 = tpu.memref_slice %arg3[%mul3A_18] : memref<800000xi32, #tpu.memory_space<hbm>> -> memref<1600xi32, #tpu.memory_space<hbm>>
          tpu.wait_dma2 semaphore(%run_scoped3A : memref<!tpu.dma_semaphore, #tpu.memory_space<semaphore_mem>>) src(%dma_wait3A_26 : memref<1600xi32, #tpu.memory_space<hbm>>) dst(%arg8 : memref<1600xi32, #tpu.memory_space<vmem>>)
          tpu.yield
        }) : () -> ()
        "tpu.region"() ({
          %run_scoped3A = tpu.sem_alloc : memref<!tpu.dma_semaphore, #tpu.memory_space<semaphore_mem>>
          %dma_start3A = tpu.memref_slice %arg4[%mul3A_18] : memref<800000xi32, #tpu.memory_space<hbm>> -> memref<1600xi32, #tpu.memory_space<hbm>>
          %dma_start3A_25 = tpu.memref_slice %arg4[%mul3A_18] : memref<800000xi32, #tpu.memory_space<hbm>> -> memref<1600xi32, #tpu.memory_space<hbm>>
          tpu.enqueue_dma source(%dma_start3A_25 : memref<1600xi32, #tpu.memory_space<hbm>>) target(%arg9 : memref<1600xi32, #tpu.memory_space<vmem>>) target_semaphore(%run_scoped3A : memref<!tpu.dma_semaphore, #tpu.memory_space<semaphore_mem>>)
          %dma_wait3A = tpu.memref_slice %arg4[%mul3A_18] : memref<800000xi32, #tpu.memory_space<hbm>> -> memref<1600xi32, #tpu.memory_space<hbm>>
          %dma_wait3A_26 = tpu.memref_slice %arg4[%mul3A_18] : memref<800000xi32, #tpu.memory_space<hbm>> -> memref<1600xi32, #tpu.memory_space<hbm>>
          tpu.wait_dma2 semaphore(%run_scoped3A : memref<!tpu.dma_semaphore, #tpu.memory_space<semaphore_mem>>) src(%dma_wait3A_26 : memref<1600xi32, #tpu.memory_space<hbm>>) dst(%arg9 : memref<1600xi32, #tpu.memory_space<vmem>>)
          tpu.yield
        }) : () -> ()
        "tpu.region"() ({
          %run_scoped3A = tpu.sem_alloc : memref<!tpu.dma_semaphore, #tpu.memory_space<semaphore_mem>>
          %dma_start3A = tpu.memref_slice %arg5[%mul3A_18] : memref<800000xf32, #tpu.memory_space<hbm>> -> memref<1600xf32, #tpu.memory_space<hbm>>
          %dma_start3A_25 = tpu.memref_slice %arg5[%mul3A_18] : memref<800000xf32, #tpu.memory_space<hbm>> -> memref<1600xf32, #tpu.memory_space<hbm>>
          tpu.enqueue_dma source(%dma_start3A_25 : memref<1600xf32, #tpu.memory_space<hbm>>) target(%arg10 : memref<1600xf32, #tpu.memory_space<vmem>>) target_semaphore(%run_scoped3A : memref<!tpu.dma_semaphore, #tpu.memory_space<semaphore_mem>>)
          %dma_wait3A = tpu.memref_slice %arg5[%mul3A_18] : memref<800000xf32, #tpu.memory_space<hbm>> -> memref<1600xf32, #tpu.memory_space<hbm>>
          %dma_wait3A_26 = tpu.memref_slice %arg5[%mul3A_18] : memref<800000xf32, #tpu.memory_space<hbm>> -> memref<1600xf32, #tpu.memory_space<hbm>>
          tpu.wait_dma2 semaphore(%run_scoped3A : memref<!tpu.dma_semaphore, #tpu.memory_space<semaphore_mem>>) src(%dma_wait3A_26 : memref<1600xf32, #tpu.memory_space<hbm>>) dst(%arg10 : memref<1600xf32, #tpu.memory_space<vmem>>)
          tpu.yield
        }) : () -> ()
        %scan3A_19 = arith.constant 0 : i32
        %scan3A_20 = arith.constant 0 : i32
        %scan3A_21 = arith.constant 100 : i32
        %scan3A_22 = arith.addi %scan3A_20, %scan3A_21 : i32
        %scan3A_23 = arith.constant 1 : i32
        scf.for %scan3A_25 = %scan3A_20 to %scan3A_22 step %scan3A_23  : i32 {
          %mul3A_26 = arith.constant 16 : i32
          %mul3A_27 = arith.muli %scan3A_25, %mul3A_26 : i32
          %get3A = arith.index_cast %mul3A_27 : i32 to index
          %get3A_28 = tpu.vector_load %arg8[%get3A] {strides = array<i32>} : memref<1600xi32, #tpu.memory_space<vmem>>, vector<16xi32>,
          %get3A_29 = arith.index_cast %mul3A_27 : i32 to index
          %get3A_30 = tpu.vector_load %arg9[%get3A_29] {strides = array<i32>} : memref<1600xi32, #tpu.memory_space<vmem>>, vector<16xi32>,
          %get3A_31 = arith.index_cast %mul3A_27 : i32 to index
          %get3A_32 = tpu.vector_load %arg10[%get3A_31] {strides = array<i32>} : memref<1600xf32, #tpu.memory_space<vmem>>, vector<16xf32>,
          %add3A_33 = arith.addi %get3A_28, %get3A_28 : vector<16xi32>
          %add3A_34 = arith.addi %get3A_30, %get3A_30 : vector<16xi32>
          %gather3A = tpu.vector_load_idx %arg7[%add3A_33] : memref<100000xf32, #tpu.memory_space<vmem>>[vector<16xi32>], vector<16xf32>,
          %add3A_35 = arith.constant 1 : i32
          %add3A_36 = vector.broadcast %add3A_35 : i32 to vector<16xi32>
          %add3A_37 = arith.addi %add3A_33, %add3A_36 : vector<16xi32>
          %gather3A_38 = tpu.vector_load_idx %arg7[%add3A_37] : memref<100000xf32, #tpu.memory_space<vmem>>[vector<16xi32>], vector<16xf32>,
          %gather3A_39 = tpu.vector_load_idx %arg7[%add3A_34] : memref<100000xf32, #tpu.memory_space<vmem>>[vector<16xi32>], vector<16xf32>,
          %add3A_40 = arith.constant 1 : i32
          %add3A_41 = vector.broadcast %add3A_40 : i32 to vector<16xi32>
          %add3A_42 = arith.addi %add3A_34, %add3A_41 : vector<16xi32>
          %gather3A_43 = tpu.vector_load_idx %arg7[%add3A_42] : memref<100000xf32, #tpu.memory_space<vmem>>[vector<16xi32>], vector<16xf32>,
          %add3A_44 = vector.broadcast %mul3A_27 : i32 to vector<16xi32>
          %add3A_45 = arith.addi %add3A_44, %iota3A : vector<16xi32>
          tpu.vector_store_idx %arg11[%add3A_45, %broadcast_in_dim3A_1], %gather3A : memref<1600x8xf32, #tpu.memory_space<vmem>>[vector<16xi32>, vector<16xi32>], vector<16xf32>,
          tpu.vector_store_idx %arg11[%add3A_45, %broadcast_in_dim3A_3], %gather3A_38 : memref<1600x8xf32, #tpu.memory_space<vmem>>[vector<16xi32>, vector<16xi32>], vector<16xf32>,
          %add3A_46 = arith.constant 2 : i32
          %add3A_47 = vector.broadcast %add3A_46 : i32 to vector<16xi32>
          %add3A_48 = arith.addi %broadcast_in_dim3A_1, %add3A_47 : vector<16xi32>
          tpu.vector_store_idx %arg11[%add3A_45, %add3A_48], %gather3A_39 : memref<1600x8xf32, #tpu.memory_space<vmem>>[vector<16xi32>, vector<16xi32>], vector<16xf32>,
          %add3A_49 = arith.constant 2 : i32
          %add3A_50 = vector.broadcast %add3A_49 : i32 to vector<16xi32>
          %add3A_51 = arith.addi %broadcast_in_dim3A_3, %add3A_50 : vector<16xi32>
          tpu.vector_store_idx %arg11[%add3A_45, %add3A_51], %gather3A_43 : memref<1600x8xf32, #tpu.memory_space<vmem>>[vector<16xi32>, vector<16xi32>], vector<16xf32>,
          %add3A_52 = arith.constant 4 : i32
          %add3A_53 = vector.broadcast %add3A_52 : i32 to vector<16xi32>
          %add3A_54 = arith.addi %broadcast_in_dim3A_1, %add3A_53 : vector<16xi32>
          tpu.vector_store_idx %arg11[%add3A_45, %add3A_54], %get3A_32 : memref<1600x8xf32, #tpu.memory_space<vmem>>[vector<16xi32>, vector<16xi32>], vector<16xf32>,
          %add3A_55 = arith.constant 4 : i32
          %add3A_56 = vector.broadcast %add3A_55 : i32 to vector<16xi32>
          %add3A_57 = arith.addi %broadcast_in_dim3A_3, %add3A_56 : vector<16xi32>
          tpu.vector_store_idx %arg11[%add3A_45, %add3A_57], %broadcast_in_dim3A_5 : memref<1600x8xf32, #tpu.memory_space<vmem>>[vector<16xi32>, vector<16xi32>], vector<16xf32>,
        }
        %scan3A_24 = arith.constant 100 : i32
        "tpu.region"() ({
          %run_scoped3A = tpu.sem_alloc : memref<!tpu.dma_semaphore, #tpu.memory_space<semaphore_mem>>
          %dma_start3A = arith.constant 0 : i32
          %dma_start3A_25 = tpu.memref_slice %arg6[%mul3A_18, %dma_start3A] : memref<800000x8xf32, #tpu.memory_space<hbm>> -> memref<1600x8xf32, #tpu.memory_space<hbm>>
          %dma_start3A_26 = arith.constant 0 : i32
          %dma_start3A_27 = tpu.memref_slice %arg6[%mul3A_18, %dma_start3A_26] : memref<800000x8xf32, #tpu.memory_space<hbm>> -> memref<1600x8xf32, #tpu.memory_space<hbm>>
          tpu.enqueue_dma source(%arg11 : memref<1600x8xf32, #tpu.memory_space<vmem>>) target(%dma_start3A_27 : memref<1600x8xf32, #tpu.memory_space<hbm>>) target_semaphore(%run_scoped3A : memref<!tpu.dma_semaphore, #tpu.memory_space<semaphore_mem>>)
          %dma_wait3A = arith.constant 0 : i32
          %dma_wait3A_28 = tpu.memref_slice %arg6[%mul3A_18, %dma_wait3A] : memref<800000x8xf32, #tpu.memory_space<hbm>> -> memref<1600x8xf32, #tpu.memory_space<hbm>>
          %dma_wait3A_29 = arith.constant 0 : i32
          %dma_wait3A_30 = tpu.memref_slice %arg6[%mul3A_18, %dma_wait3A_29] : memref<800000x8xf32, #tpu.memory_space<hbm>> -> memref<1600x8xf32, #tpu.memory_space<hbm>>
          tpu.wait_dma2 semaphore(%run_scoped3A : memref<!tpu.dma_semaphore, #tpu.memory_space<semaphore_mem>>) src(%arg11 : memref<1600x8xf32, #tpu.memory_space<vmem>>) dst(%dma_wait3A_30 : memref<1600x8xf32, #tpu.memory_space<hbm>>)
          tpu.yield
        }) : () -> ()
      } else {
      }
    }
    %scan3A_10 = arith.constant 16 : i32
    return
  }
}

#map = affine_map<(d0, d1) -> (0, 0)>
#map1 = affine_map<(d0, d1) -> (0)>
module attributes {stable_mosaic.version = 14 : i64} {
  func.func @_scatter_stage(%arg0: i32, %arg1: i32, %arg2: memref<800000x8xf32, #tpu.memory_space<hbm>>, %arg3: memref<800000xi32, #tpu.memory_space<hbm>>, %arg4: memref<50000x8xf32, #tpu.memory_space<hbm>>, %arg5: memref<50000x8xf32, #tpu.memory_space<hbm>>, %arg6: memref<50000x8xf32, #tpu.memory_space<hbm>>, %arg7: memref<50000x8xf32, #tpu.memory_space<vmem_shared>>, %arg8: memref<3200x8xf32, #tpu.memory_space<vmem>>, %arg9: memref<3200xi32, #tpu.memory_space<vmem>>) attributes {dimension_semantics = [#tpu.dimension_semantics<core_parallel>, #tpu.dimension_semantics<subcore_parallel>], iteration_bounds = array<i64: 2, 16>, scalar_prefetch = 0 : i64, scratch_operands = 3 : i64, tpu.core_type = #tpu.core_type<sc_vector_subcore>, window_params = [{transform_indices = #map}, {transform_indices = #map1}, {transform_indices = #map}, {transform_indices = #map}, {transform_indices = #map}]} {
    %mul3A = arith.constant 3125 : i32
    %mul3A_0 = arith.muli %arg1, %mul3A : i32
    %mul3A_1 = arith.constant 3125 : i32
    %mul3A_2 = arith.muli %arg1, %mul3A_1 : i32
    "tpu.region"() ({
      %run_scoped3A = tpu.sem_alloc : memref<!tpu.dma_semaphore, #tpu.memory_space<semaphore_mem>>
      %dma_start3A = arith.constant 0 : i32
      %dma_start3A_16 = tpu.memref_slice %arg7[%mul3A_2, %dma_start3A] : memref<50000x8xf32, #tpu.memory_space<vmem_shared>> -> memref<3125x8xf32, #tpu.memory_space<vmem_shared>>
      %dma_start3A_17 = arith.constant 0 : i32
      %dma_start3A_18 = tpu.memref_slice %arg4[%mul3A_0, %dma_start3A_17] : memref<50000x8xf32, #tpu.memory_space<hbm>> -> memref<3125x8xf32, #tpu.memory_space<hbm>>
      tpu.enqueue_dma source(%dma_start3A_18 : memref<3125x8xf32, #tpu.memory_space<hbm>>) target(%dma_start3A_16 : memref<3125x8xf32, #tpu.memory_space<vmem_shared>>) target_semaphore(%run_scoped3A : memref<!tpu.dma_semaphore, #tpu.memory_space<semaphore_mem>>)
      %dma_wait3A = arith.constant 0 : i32
      %dma_wait3A_19 = tpu.memref_slice %arg7[%mul3A_2, %dma_wait3A] : memref<50000x8xf32, #tpu.memory_space<vmem_shared>> -> memref<3125x8xf32, #tpu.memory_space<vmem_shared>>
      %dma_wait3A_20 = arith.constant 0 : i32
      %dma_wait3A_21 = tpu.memref_slice %arg4[%mul3A_0, %dma_wait3A_20] : memref<50000x8xf32, #tpu.memory_space<hbm>> -> memref<3125x8xf32, #tpu.memory_space<hbm>>
      tpu.wait_dma2 semaphore(%run_scoped3A : memref<!tpu.dma_semaphore, #tpu.memory_space<semaphore_mem>>) src(%dma_wait3A_21 : memref<3125x8xf32, #tpu.memory_space<hbm>>) dst(%dma_wait3A_19 : memref<3125x8xf32, #tpu.memory_space<vmem_shared>>)
      tpu.yield
    }) : () -> ()
    %barrier3A = arith.constant 0 : index
    tpu.barrier barrier_id(%barrier3A)
    %scan3A = arith.constant 0 : i32
    %scan3A_3 = arith.constant 0 : i32
    %scan3A_4 = arith.constant 8 : i32
    %scan3A_5 = arith.addi %scan3A_3, %scan3A_4 : i32
    %scan3A_6 = arith.constant 1 : i32
    scf.for %scan3A_16 = %scan3A_3 to %scan3A_5 step %scan3A_6  : i32 {
      %mul3A_17 = arith.constant 125 : i32
      %mul3A_18 = arith.muli %arg0, %mul3A_17 : i32
      %add3A = arith.addi %mul3A_18, %arg1 : i32
      %mul3A_19 = arith.constant 16 : i32
      %mul3A_20 = arith.muli %mul3A_19, %scan3A_16 : i32
      %add3A_21 = arith.addi %add3A, %mul3A_20 : i32
      %add3A_22 = arith.constant 1 : i32
      %add3A_23 = arith.addi %arg0, %add3A_22 : i32
      %mul3A_24 = arith.constant 125 : i32
      %mul3A_25 = arith.muli %add3A_23, %mul3A_24 : i32
      %lt3A = arith.cmpi slt, %add3A_21, %mul3A_25 : i32
      %convert_element_type3A_26 = arith.extui %lt3A : i1 to i32
      %cond3A_27 = arith.constant 0 : i32
      %cond3A_28 = arith.cmpi ne, %convert_element_type3A_26, %cond3A_27 : i32
      scf.if %cond3A_28 {
        %mul3A_29 = arith.constant 3200 : i32
        %mul3A_30 = arith.muli %add3A_21, %mul3A_29 : i32
        "tpu.region"() ({
          %run_scoped3A = tpu.sem_alloc : memref<!tpu.dma_semaphore, #tpu.memory_space<semaphore_mem>>
          %dma_start3A = arith.constant 0 : i32
          %dma_start3A_31 = tpu.memref_slice %arg2[%mul3A_30, %dma_start3A] : memref<800000x8xf32, #tpu.memory_space<hbm>> -> memref<3200x8xf32, #tpu.memory_space<hbm>>
          %dma_start3A_32 = arith.constant 0 : i32
          %dma_start3A_33 = tpu.memref_slice %arg2[%mul3A_30, %dma_start3A_32] : memref<800000x8xf32, #tpu.memory_space<hbm>> -> memref<3200x8xf32, #tpu.memory_space<hbm>>
          tpu.enqueue_dma source(%dma_start3A_33 : memref<3200x8xf32, #tpu.memory_space<hbm>>) target(%arg8 : memref<3200x8xf32, #tpu.memory_space<vmem>>) target_semaphore(%run_scoped3A : memref<!tpu.dma_semaphore, #tpu.memory_space<semaphore_mem>>)
          %dma_wait3A = arith.constant 0 : i32
          %dma_wait3A_34 = tpu.memref_slice %arg2[%mul3A_30, %dma_wait3A] : memref<800000x8xf32, #tpu.memory_space<hbm>> -> memref<3200x8xf32, #tpu.memory_space<hbm>>
          %dma_wait3A_35 = arith.constant 0 : i32
          %dma_wait3A_36 = tpu.memref_slice %arg2[%mul3A_30, %dma_wait3A_35] : memref<800000x8xf32, #tpu.memory_space<hbm>> -> memref<3200x8xf32, #tpu.memory_space<hbm>>
          tpu.wait_dma2 semaphore(%run_scoped3A : memref<!tpu.dma_semaphore, #tpu.memory_space<semaphore_mem>>) src(%dma_wait3A_36 : memref<3200x8xf32, #tpu.memory_space<hbm>>) dst(%arg8 : memref<3200x8xf32, #tpu.memory_space<vmem>>)
          tpu.yield
        }) : () -> ()
        "tpu.region"() ({
          %run_scoped3A = tpu.sem_alloc : memref<!tpu.dma_semaphore, #tpu.memory_space<semaphore_mem>>
          %dma_start3A = tpu.memref_slice %arg3[%mul3A_30] : memref<800000xi32, #tpu.memory_space<hbm>> -> memref<3200xi32, #tpu.memory_space<hbm>>
          %dma_start3A_31 = tpu.memref_slice %arg3[%mul3A_30] : memref<800000xi32, #tpu.memory_space<hbm>> -> memref<3200xi32, #tpu.memory_space<hbm>>
          tpu.enqueue_dma source(%dma_start3A_31 : memref<3200xi32, #tpu.memory_space<hbm>>) target(%arg9 : memref<3200xi32, #tpu.memory_space<vmem>>) target_semaphore(%run_scoped3A : memref<!tpu.dma_semaphore, #tpu.memory_space<semaphore_mem>>)
          %dma_wait3A = tpu.memref_slice %arg3[%mul3A_30] : memref<800000xi32, #tpu.memory_space<hbm>> -> memref<3200xi32, #tpu.memory_space<hbm>>
          %dma_wait3A_32 = tpu.memref_slice %arg3[%mul3A_30] : memref<800000xi32, #tpu.memory_space<hbm>> -> memref<3200xi32, #tpu.memory_space<hbm>>
          tpu.wait_dma2 semaphore(%run_scoped3A : memref<!tpu.dma_semaphore, #tpu.memory_space<semaphore_mem>>) src(%dma_wait3A_32 : memref<3200xi32, #tpu.memory_space<hbm>>) dst(%arg9 : memref<3200xi32, #tpu.memory_space<vmem>>)
          tpu.yield
        }) : () -> ()
        "tpu.region"() ({
          %run_scoped3A = tpu.sem_alloc : memref<!tpu.dma_semaphore, #tpu.memory_space<semaphore_mem>>
          %dma_start3A = arith.constant 0 : i32
          %dma_start3A_31 = arith.constant 0 : i32
          %dma_start3A_32 = tpu.memref_slice %arg7[%dma_start3A, %dma_start3A_31] : memref<50000x8xf32, #tpu.memory_space<vmem_shared>> -> memref<50000x8xf32, #tpu.memory_space<vmem_shared>>
          tpu.enqueue_indirect_dma source(%arg8 : memref<3200x8xf32, #tpu.memory_space<vmem>>) target(%dma_start3A_32 : memref<50000x8xf32, #tpu.memory_space<vmem_shared>>) offsets(%arg9 : memref<3200xi32, #tpu.memory_space<vmem>>) semaphore(%run_scoped3A : memref<!tpu.dma_semaphore, #tpu.memory_space<semaphore_mem>>) {add = true}
          %dma_wait3A = arith.constant 0 : i32
          %dma_wait3A_33 = arith.constant 0 : i32
          %dma_wait3A_34 = tpu.memref_slice %arg7[%dma_wait3A, %dma_wait3A_33] : memref<50000x8xf32, #tpu.memory_space<vmem_shared>> -> memref<50000x8xf32, #tpu.memory_space<vmem_shared>>
          tpu.wait_indirect_dma semaphore(%run_scoped3A : memref<!tpu.dma_semaphore, #tpu.memory_space<semaphore_mem>>) src(%arg8 : memref<3200x8xf32, #tpu.memory_space<vmem>>) dst(%dma_wait3A_34 : memref<50000x8xf32, #tpu.memory_space<vmem_shared>>)
          tpu.yield
        }) : () -> ()
      } else {
      }
    }
    %scan3A_7 = arith.constant 8 : i32
    %barrier3A_8 = arith.constant 0 : index
    tpu.barrier barrier_id(%barrier3A_8)
    %eq3A = arith.constant 0 : i32
    %eq3A_9 = arith.cmpi eq, %arg0, %eq3A : i32
    %convert_element_type3A = arith.extui %eq3A_9 : i1 to i32
    %cond3A = arith.constant 0 : i32
    %cond3A_10 = arith.cmpi ne, %convert_element_type3A, %cond3A : i32
    scf.if %cond3A_10 {
      %mul3A_16 = arith.constant 3125 : i32
      %mul3A_17 = arith.muli %arg1, %mul3A_16 : i32
      %mul3A_18 = arith.constant 3125 : i32
      %mul3A_19 = arith.muli %arg1, %mul3A_18 : i32
      "tpu.region"() ({
        %run_scoped3A = tpu.sem_alloc : memref<!tpu.dma_semaphore, #tpu.memory_space<semaphore_mem>>
        %dma_start3A = arith.constant 0 : i32
        %dma_start3A_20 = tpu.memref_slice %arg5[%mul3A_19, %dma_start3A] : memref<50000x8xf32, #tpu.memory_space<hbm>> -> memref<3125x8xf32, #tpu.memory_space<hbm>>
        %dma_start3A_21 = arith.constant 0 : i32
        %dma_start3A_22 = tpu.memref_slice %arg7[%mul3A_17, %dma_start3A_21] : memref<50000x8xf32, #tpu.memory_space<vmem_shared>> -> memref<3125x8xf32, #tpu.memory_space<vmem_shared>>
        tpu.enqueue_dma source(%dma_start3A_22 : memref<3125x8xf32, #tpu.memory_space<vmem_shared>>) target(%dma_start3A_20 : memref<3125x8xf32, #tpu.memory_space<hbm>>) target_semaphore(%run_scoped3A : memref<!tpu.dma_semaphore, #tpu.memory_space<semaphore_mem>>)
        %dma_wait3A = arith.constant 0 : i32
        %dma_wait3A_23 = tpu.memref_slice %arg5[%mul3A_19, %dma_wait3A] : memref<50000x8xf32, #tpu.memory_space<hbm>> -> memref<3125x8xf32, #tpu.memory_space<hbm>>
        %dma_wait3A_24 = arith.constant 0 : i32
        %dma_wait3A_25 = tpu.memref_slice %arg7[%mul3A_17, %dma_wait3A_24] : memref<50000x8xf32, #tpu.memory_space<vmem_shared>> -> memref<3125x8xf32, #tpu.memory_space<vmem_shared>>
        tpu.wait_dma2 semaphore(%run_scoped3A : memref<!tpu.dma_semaphore, #tpu.memory_space<semaphore_mem>>) src(%dma_wait3A_25 : memref<3125x8xf32, #tpu.memory_space<vmem_shared>>) dst(%dma_wait3A_23 : memref<3125x8xf32, #tpu.memory_space<hbm>>)
        tpu.yield
      }) : () -> ()
    } else {
    }
    %eq3A_11 = arith.constant 1 : i32
    %eq3A_12 = arith.cmpi eq, %arg0, %eq3A_11 : i32
    %convert_element_type3A_13 = arith.extui %eq3A_12 : i1 to i32
    %cond3A_14 = arith.constant 0 : i32
    %cond3A_15 = arith.cmpi ne, %convert_element_type3A_13, %cond3A_14 : i32
    scf.if %cond3A_15 {
      %mul3A_16 = arith.constant 3125 : i32
      %mul3A_17 = arith.muli %arg1, %mul3A_16 : i32
      %mul3A_18 = arith.constant 3125 : i32
      %mul3A_19 = arith.muli %arg1, %mul3A_18 : i32
      "tpu.region"() ({
        %run_scoped3A = tpu.sem_alloc : memref<!tpu.dma_semaphore, #tpu.memory_space<semaphore_mem>>
        %dma_start3A = arith.constant 0 : i32
        %dma_start3A_20 = tpu.memref_slice %arg6[%mul3A_19, %dma_start3A] : memref<50000x8xf32, #tpu.memory_space<hbm>> -> memref<3125x8xf32, #tpu.memory_space<hbm>>
        %dma_start3A_21 = arith.constant 0 : i32
        %dma_start3A_22 = tpu.memref_slice %arg7[%mul3A_17, %dma_start3A_21] : memref<50000x8xf32, #tpu.memory_space<vmem_shared>> -> memref<3125x8xf32, #tpu.memory_space<vmem_shared>>
        tpu.enqueue_dma source(%dma_start3A_22 : memref<3125x8xf32, #tpu.memory_space<vmem_shared>>) target(%dma_start3A_20 : memref<3125x8xf32, #tpu.memory_space<hbm>>) target_semaphore(%run_scoped3A : memref<!tpu.dma_semaphore, #tpu.memory_space<semaphore_mem>>)
        %dma_wait3A = arith.constant 0 : i32
        %dma_wait3A_23 = tpu.memref_slice %arg6[%mul3A_19, %dma_wait3A] : memref<50000x8xf32, #tpu.memory_space<hbm>> -> memref<3125x8xf32, #tpu.memory_space<hbm>>
        %dma_wait3A_24 = arith.constant 0 : i32
        %dma_wait3A_25 = tpu.memref_slice %arg7[%mul3A_17, %dma_wait3A_24] : memref<50000x8xf32, #tpu.memory_space<vmem_shared>> -> memref<3125x8xf32, #tpu.memory_space<vmem_shared>>
        tpu.wait_dma2 semaphore(%run_scoped3A : memref<!tpu.dma_semaphore, #tpu.memory_space<semaphore_mem>>) src(%dma_wait3A_25 : memref<3125x8xf32, #tpu.memory_space<vmem_shared>>) dst(%dma_wait3A_23 : memref<3125x8xf32, #tpu.memory_space<hbm>>)
        tpu.yield
      }) : () -> ()
    } else {
    }
    return
  }
}

module attributes {stable_mosaic.version = 14 : i64} {
  func.func @_edge_dense_body(%arg0: i32, %arg1: memref<400x128xf32, #tpu.memory_space<vmem>>, %arg2: memref<128x1024xf32, #tpu.memory_space<vmem>>, %arg3: memref<1024x128xf32, #tpu.memory_space<vmem>>, %arg4: memref<128x128xf32, #tpu.memory_space<vmem>>, %arg5: memref<400x128xf32, #tpu.memory_space<vmem>>) attributes {dimension_semantics = [#tpu.dimension_semantics<arbitrary>], iteration_bounds = array<i64: 125>, scalar_prefetch = 0 : i64, scratch_operands = 0 : i64, tpu.core_type = #tpu.core_type<tc>, window_params = [{transform_indices = @transform_0, window_bounds = array<i64: 400, 128>}, {pipeline_mode = #tpu.pipeline_mode<synchronous>, transform_indices = @transform_1, window_bounds = array<i64: 128, 1024>}, {pipeline_mode = #tpu.pipeline_mode<synchronous>, transform_indices = @transform_2, window_bounds = array<i64: 1024, 128>}, {pipeline_mode = #tpu.pipeline_mode<synchronous>, transform_indices = @transform_3, window_bounds = array<i64: 128, 128>}, {transform_indices = @transform_4, window_bounds = array<i64: 400, 128>}]} {
    %get3A = arith.constant 0 : index
    %get3A_0 = arith.constant 0 : index
    %get3A_1 = vector.load %arg1[%get3A, %get3A_0] : memref<400x128xf32, #tpu.memory_space<vmem>>, vector<400x128xf32>
    %get3A_2 = arith.constant 0 : index
    %get3A_3 = arith.constant 0 : index
    %get3A_4 = vector.load %arg2[%get3A_2, %get3A_3] : memref<128x1024xf32, #tpu.memory_space<vmem>>, vector<128x1024xf32>
    %dot_general3A = arith.constant dense<0.000000e+00> : vector<400x1024xf32>
    %dot_general3A_5 = tpu.matmul %get3A_1, %get3A_4, %dot_general3A {dimension_numbers = #tpu.dot_dimension_numbers<[1], [0], [0], [1], [0, 0, 1, 1], [], []>, transpose_lhs_hint = false} : vector<400x128xf32>, vector<128x1024xf32>, vector<400x1024xf32> -> vector<400x1024xf32>
    %mul3A = arith.constant 2.000000e-01 : f32
    %mul3A_6 = vector.broadcast %mul3A : f32 to vector<400x1024xf32>
    %mul3A_7 = arith.mulf %mul3A_6, %dot_general3A_5 : vector<400x1024xf32>
    %max3A = arith.maximumf %dot_general3A_5, %mul3A_7 : vector<400x1024xf32>
    %get3A_8 = arith.constant 0 : index
    %get3A_9 = arith.constant 0 : index
    %get3A_10 = vector.load %arg3[%get3A_8, %get3A_9] : memref<1024x128xf32, #tpu.memory_space<vmem>>, vector<1024x128xf32>
    %dot_general3A_11 = arith.constant dense<0.000000e+00> : vector<400x128xf32>
    %dot_general3A_12 = tpu.matmul %max3A, %get3A_10, %dot_general3A_11 {dimension_numbers = #tpu.dot_dimension_numbers<[1], [0], [0], [1], [0, 0, 1, 1], [], []>, transpose_lhs_hint = false} : vector<400x1024xf32>, vector<1024x128xf32>, vector<400x128xf32> -> vector<400x128xf32>
    %get3A_13 = arith.constant 0 : index
    %get3A_14 = arith.constant 0 : index
    %get3A_15 = vector.load %arg4[%get3A_13, %get3A_14] : memref<128x128xf32, #tpu.memory_space<vmem>>, vector<128x128xf32>
    %dot_general3A_16 = arith.constant dense<0.000000e+00> : vector<400x128xf32>
    %dot_general3A_17 = tpu.matmul %get3A_1, %get3A_15, %dot_general3A_16 {dimension_numbers = #tpu.dot_dimension_numbers<[1], [0], [0], [1], [0, 0, 1, 1], [], []>, transpose_lhs_hint = false} : vector<400x128xf32>, vector<128x128xf32>, vector<400x128xf32> -> vector<400x128xf32>
    %exp3A = math.exp %dot_general3A_12 : vector<400x128xf32>
    %mul3A_18 = arith.mulf %exp3A, %dot_general3A_17 : vector<400x128xf32>
    %swap3A = arith.constant 0 : index
    %swap3A_19 = arith.constant 0 : index
    %swap3A_20 = vector.load %arg5[%swap3A, %swap3A_19] : memref<400x128xf32, #tpu.memory_space<vmem>>, vector<400x128xf32>
    tpu.vector_store %arg5[%swap3A, %swap3A_19], %mul3A_18 {strides = array<i32>} : memref<400x128xf32, #tpu.memory_space<vmem>>, vector<400x128xf32>,
    return
  }
  func.func @transform_0(%arg0: i32) -> (i32, i32) {
    %c0_i32 = arith.constant 0 : i32
    %c0_i32_0 = arith.constant 0 : i32
    return %arg0, %c0_i32 : i32, i32
  }
  func.func @transform_1(%arg0: i32) -> (i32, i32) {
    %c0_i32 = arith.constant 0 : i32
    %c0_i32_0 = arith.constant 0 : i32
    %c0_i32_1 = arith.constant 0 : i32
    return %c0_i32, %c0_i32_0 : i32, i32
  }
  func.func @transform_2(%arg0: i32) -> (i32, i32) {
    %c0_i32 = arith.constant 0 : i32
    %c0_i32_0 = arith.constant 0 : i32
    %c0_i32_1 = arith.constant 0 : i32
    return %c0_i32, %c0_i32_0 : i32, i32
  }
  func.func @transform_3(%arg0: i32) -> (i32, i32) {
    %c0_i32 = arith.constant 0 : i32
    %c0_i32_0 = arith.constant 0 : i32
    %c0_i32_1 = arith.constant 0 : i32
    return %c0_i32, %c0_i32_0 : i32, i32
  }
  func.func @transform_4(%arg0: i32) -> (i32, i32) {
    %c0_i32 = arith.constant 0 : i32
    %c0_i32_0 = arith.constant 0 : i32
    return %arg0, %c0_i32 : i32, i32
  }
}

module attributes {stable_mosaic.version = 14 : i64} {
  func.func @_node_dense_body(%arg0: i32, %arg1: memref<400x8xf32, #tpu.memory_space<vmem>>, %arg2: memref<400x8xf32, #tpu.memory_space<vmem>>, %arg3: memref<8x64xf32, #tpu.memory_space<vmem>>, %arg4: memref<8x64xf32, #tpu.memory_space<vmem>>, %arg5: memref<1x64xf32, #tpu.memory_space<vmem>>, %arg6: memref<16x128xf32, #tpu.memory_space<vmem>>, %arg7: memref<128x64xf32, #tpu.memory_space<vmem>>, %arg8: memref<1x64xf32, #tpu.memory_space<vmem>>, %arg9: memref<400x16xf32, #tpu.memory_space<vmem>>, %arg10: memref<1x16xf32, #tpu.memory_space<vmem>>) attributes {dimension_semantics = [#tpu.dimension_semantics<arbitrary>], iteration_bounds = array<i64: 125>, scalar_prefetch = 0 : i64, scratch_operands = 0 : i64, tpu.core_type = #tpu.core_type<tc>, window_params = [{transform_indices = @transform_0, window_bounds = array<i64: 400, 8>}, {transform_indices = @transform_1, window_bounds = array<i64: 400, 8>}, {pipeline_mode = #tpu.pipeline_mode<synchronous>, transform_indices = @transform_2, window_bounds = array<i64: 8, 64>}, {pipeline_mode = #tpu.pipeline_mode<synchronous>, transform_indices = @transform_3, window_bounds = array<i64: 8, 64>}, {pipeline_mode = #tpu.pipeline_mode<synchronous>, transform_indices = @transform_4, window_bounds = array<i64: 1, 64>}, {pipeline_mode = #tpu.pipeline_mode<synchronous>, transform_indices = @transform_5, window_bounds = array<i64: 16, 128>}, {pipeline_mode = #tpu.pipeline_mode<synchronous>, transform_indices = @transform_6, window_bounds = array<i64: 128, 64>}, {pipeline_mode = #tpu.pipeline_mode<synchronous>, transform_indices = @transform_7, window_bounds = array<i64: 1, 64>}, {transform_indices = @transform_8, window_bounds = array<i64: 400, 16>}, {pipeline_mode = #tpu.pipeline_mode<synchronous>, transform_indices = @transform_9, window_bounds = array<i64: 1, 16>}]} {
    %get3A = arith.constant 0 : index
    %get3A_0 = arith.constant 0 : index
    %get3A_1 = vector.load %arg1[%get3A, %get3A_0] : memref<400x8xf32, #tpu.memory_space<vmem>>, vector<400x8xf32>
    %get3A_2 = arith.constant 0 : index
    %get3A_3 = arith.constant 0 : index
    %get3A_4 = vector.load %arg2[%get3A_2, %get3A_3] : memref<400x8xf32, #tpu.memory_space<vmem>>, vector<400x8xf32>
    %add3A = arith.addf %get3A_1, %get3A_4 : vector<400x8xf32>
    %get3A_5 = arith.constant 0 : index
    %get3A_6 = arith.constant 0 : index
    %get3A_7 = vector.load %arg3[%get3A_5, %get3A_6] : memref<8x64xf32, #tpu.memory_space<vmem>>, vector<8x64xf32>
    %dot_general3A = arith.constant dense<0.000000e+00> : vector<400x64xf32>
    %dot_general3A_8 = tpu.matmul %add3A, %get3A_7, %dot_general3A {dimension_numbers = #tpu.dot_dimension_numbers<[1], [0], [0], [1], [0, 0, 1, 1], [], []>, transpose_lhs_hint = false} : vector<400x8xf32>, vector<8x64xf32>, vector<400x64xf32> -> vector<400x64xf32>
    %get3A_9 = arith.constant 0 : index
    %get3A_10 = arith.constant 0 : index
    %get3A_11 = vector.load %arg4[%get3A_9, %get3A_10] : memref<8x64xf32, #tpu.memory_space<vmem>>, vector<8x64xf32>
    %dot_general3A_12 = arith.constant dense<0.000000e+00> : vector<400x64xf32>
    %dot_general3A_13 = tpu.matmul %add3A, %get3A_11, %dot_general3A_12 {dimension_numbers = #tpu.dot_dimension_numbers<[1], [0], [0], [1], [0, 0, 1, 1], [], []>, transpose_lhs_hint = false} : vector<400x8xf32>, vector<8x64xf32>, vector<400x64xf32> -> vector<400x64xf32>
    %add3A_14 = arith.constant 1.000000e-16 : f32
    %add3A_15 = vector.broadcast %add3A_14 : f32 to vector<400x64xf32>
    %add3A_16 = arith.addf %dot_general3A_13, %add3A_15 : vector<400x64xf32>
    %div3A = arith.divf %dot_general3A_8, %add3A_16 : vector<400x64xf32>
    %get3A_17 = arith.constant 0 : index
    %get3A_18 = arith.constant 0 : index
    %get3A_19 = vector.load %arg5[%get3A_17, %get3A_18] : memref<1x64xf32, #tpu.memory_space<vmem>>, vector<1x64xf32>
    %add3A_20 = vector.broadcast %get3A_19 : vector<1x64xf32> to vector<400x64xf32>
    %add3A_21 = arith.addf %div3A, %add3A_20 : vector<400x64xf32>
    %max3A = arith.constant 0.000000e+00 : f32
    %max3A_22 = vector.broadcast %max3A : f32 to vector<400x64xf32>
    %max3A_23 = arith.maximumf %add3A_21, %max3A_22 : vector<400x64xf32>
    %get3A_24 = arith.constant 0 : index
    %get3A_25 = arith.constant 0 : index
    %get3A_26 = vector.load %arg6[%get3A_24, %get3A_25] : memref<16x128xf32, #tpu.memory_space<vmem>>, vector<16x128xf32>
    %get3A_27 = arith.constant 0 : index
    %get3A_28 = arith.constant 0 : index
    %get3A_29 = vector.load %arg7[%get3A_27, %get3A_28] : memref<128x64xf32, #tpu.memory_space<vmem>>, vector<128x64xf32>
    %dot_general3A_30 = arith.constant dense<0.000000e+00> : vector<16x64xf32>
    %dot_general3A_31 = tpu.matmul %get3A_26, %get3A_29, %dot_general3A_30 {dimension_numbers = #tpu.dot_dimension_numbers<[1], [0], [0], [1], [0, 0, 1, 1], [], []>, transpose_lhs_hint = false} : vector<16x128xf32>, vector<128x64xf32>, vector<16x64xf32> -> vector<16x64xf32>
    %get3A_32 = arith.constant 0 : index
    %get3A_33 = arith.constant 0 : index
    %get3A_34 = vector.load %arg8[%get3A_32, %get3A_33] : memref<1x64xf32, #tpu.memory_space<vmem>>, vector<1x64xf32>
    %add3A_35 = vector.broadcast %get3A_34 : vector<1x64xf32> to vector<16x64xf32>
    %add3A_36 = arith.addf %dot_general3A_31, %add3A_35 : vector<16x64xf32>
    %dot_general3A_37 = arith.constant dense<0.000000e+00> : vector<400x16xf32>
    %dot_general3A_38 = tpu.matmul %max3A_23, %add3A_36, %dot_general3A_37 {dimension_numbers = #tpu.dot_dimension_numbers<[1], [1], [0], [0], [0, 0, 1, 0], [], []>, transpose_lhs_hint = false} : vector<400x64xf32>, vector<16x64xf32>, vector<400x16xf32> -> vector<400x16xf32>
    %exp3A = math.exp %dot_general3A_38 : vector<400x16xf32>
    %swap3A = arith.constant 0 : index
    %swap3A_39 = arith.constant 0 : index
    %swap3A_40 = vector.load %arg9[%swap3A, %swap3A_39] : memref<400x16xf32, #tpu.memory_space<vmem>>, vector<400x16xf32>
    tpu.vector_store %arg9[%swap3A, %swap3A_39], %exp3A {strides = array<i32>} : memref<400x16xf32, #tpu.memory_space<vmem>>, vector<400x16xf32>,
    %eq3A = arith.constant 0 : i32
    %eq3A_41 = arith.cmpi eq, %arg0, %eq3A : i32
    %convert_element_type3A = arith.extui %eq3A_41 : i1 to i32
    %cond3A = arith.constant 0 : i32
    %cond3A_42 = arith.cmpi ne, %convert_element_type3A, %cond3A : i32
    scf.if %cond3A_42 {
      %broadcast_in_dim3A_51 = arith.constant 0.000000e+00 : f32
      %broadcast_in_dim3A_52 = vector.broadcast %broadcast_in_dim3A_51 : f32 to vector<1x16xf32>
      %swap3A_53 = arith.constant 0 : index
      %swap3A_54 = arith.constant 0 : index
      %swap3A_55 = vector.load %arg10[%swap3A_53, %swap3A_54] : memref<1x16xf32, #tpu.memory_space<vmem>>, vector<1x16xf32>
      tpu.vector_store %arg10[%swap3A_53, %swap3A_54], %broadcast_in_dim3A_52 {strides = array<i32>} : memref<1x16xf32, #tpu.memory_space<vmem>>, vector<1x16xf32>,
    } else {
    }
    %get3A_43 = arith.constant 0 : index
    %get3A_44 = arith.constant 0 : index
    %get3A_45 = vector.load %arg10[%get3A_43, %get3A_44] : memref<1x16xf32, #tpu.memory_space<vmem>>, vector<1x16xf32>
    %reduce_sum3A = arith.constant dense<0.000000e+00> : vector<16xf32>
    %reduce_sum3A_46 = vector.multi_reduction <add>, %exp3A, %reduce_sum3A [0] : vector<400x16xf32> to vector<16xf32>
    %broadcast_in_dim3A = vector.shape_cast %reduce_sum3A_46 : vector<16xf32> to vector<1x16xf32>
    %add3A_47 = arith.addf %get3A_45, %broadcast_in_dim3A : vector<1x16xf32>
    %swap3A_48 = arith.constant 0 : index
    %swap3A_49 = arith.constant 0 : index
    %swap3A_50 = vector.load %arg10[%swap3A_48, %swap3A_49] : memref<1x16xf32, #tpu.memory_space<vmem>>, vector<1x16xf32>
    tpu.vector_store %arg10[%swap3A_48, %swap3A_49], %add3A_47 {strides = array<i32>} : memref<1x16xf32, #tpu.memory_space<vmem>>, vector<1x16xf32>,
    return
  }
  func.func @transform_0(%arg0: i32) -> (i32, i32) {
    %c0_i32 = arith.constant 0 : i32
    %c0_i32_0 = arith.constant 0 : i32
    return %arg0, %c0_i32 : i32, i32
  }
  func.func @transform_1(%arg0: i32) -> (i32, i32) {
    %c0_i32 = arith.constant 0 : i32
    %c0_i32_0 = arith.constant 0 : i32
    return %arg0, %c0_i32 : i32, i32
  }
  func.func @transform_2(%arg0: i32) -> (i32, i32) {
    %c0_i32 = arith.constant 0 : i32
    %c0_i32_0 = arith.constant 0 : i32
    %c0_i32_1 = arith.constant 0 : i32
    return %c0_i32, %c0_i32_0 : i32, i32
  }
  func.func @transform_3(%arg0: i32) -> (i32, i32) {
    %c0_i32 = arith.constant 0 : i32
    %c0_i32_0 = arith.constant 0 : i32
    %c0_i32_1 = arith.constant 0 : i32
    return %c0_i32, %c0_i32_0 : i32, i32
  }
  func.func @transform_4(%arg0: i32) -> (i32, i32) {
    %c0_i32 = arith.constant 0 : i32
    %c0_i32_0 = arith.constant 0 : i32
    %c0_i32_1 = arith.constant 0 : i32
    return %c0_i32, %c0_i32_0 : i32, i32
  }
  func.func @transform_5(%arg0: i32) -> (i32, i32) {
    %c0_i32 = arith.constant 0 : i32
    %c0_i32_0 = arith.constant 0 : i32
    %c0_i32_1 = arith.constant 0 : i32
    return %c0_i32, %c0_i32_0 : i32, i32
  }
  func.func @transform_6(%arg0: i32) -> (i32, i32) {
    %c0_i32 = arith.constant 0 : i32
    %c0_i32_0 = arith.constant 0 : i32
    %c0_i32_1 = arith.constant 0 : i32
    return %c0_i32, %c0_i32_0 : i32, i32
  }
  func.func @transform_7(%arg0: i32) -> (i32, i32) {
    %c0_i32 = arith.constant 0 : i32
    %c0_i32_0 = arith.constant 0 : i32
    %c0_i32_1 = arith.constant 0 : i32
    return %c0_i32, %c0_i32_0 : i32, i32
  }
  func.func @transform_8(%arg0: i32) -> (i32, i32) {
    %c0_i32 = arith.constant 0 : i32
    %c0_i32_0 = arith.constant 0 : i32
    return %arg0, %c0_i32 : i32, i32
  }
  func.func @transform_9(%arg0: i32) -> (i32, i32) {
    %c0_i32 = arith.constant 0 : i32
    %c0_i32_0 = arith.constant 0 : i32
    %c0_i32_1 = arith.constant 0 : i32
    return %c0_i32, %c0_i32_0 : i32, i32
  }
}

module attributes {stable_mosaic.version = 14 : i64} {
  func.func @_normalize_body(%arg0: i32, %arg1: memref<400x16xf32, #tpu.memory_space<vmem>>, %arg2: memref<1x16xf32, #tpu.memory_space<vmem>>, %arg3: memref<400x32xf32, #tpu.memory_space<vmem>>) attributes {dimension_semantics = [#tpu.dimension_semantics<arbitrary>], iteration_bounds = array<i64: 125>, scalar_prefetch = 0 : i64, scratch_operands = 0 : i64, tpu.core_type = #tpu.core_type<tc>, window_params = [{transform_indices = @transform_0, window_bounds = array<i64: 400, 16>}, {pipeline_mode = #tpu.pipeline_mode<synchronous>, transform_indices = @transform_1, window_bounds = array<i64: 1, 16>}, {transform_indices = @transform_2, window_bounds = array<i64: 400, 32>}]} {
    %get3A = arith.constant 0 : index
    %get3A_0 = arith.constant 0 : index
    %get3A_1 = vector.load %arg1[%get3A, %get3A_0] : memref<400x16xf32, #tpu.memory_space<vmem>>, vector<400x16xf32>
    %get3A_2 = arith.constant 0 : index
    %get3A_3 = arith.constant 0 : index
    %get3A_4 = vector.load %arg2[%get3A_2, %get3A_3] : memref<1x16xf32, #tpu.memory_space<vmem>>, vector<1x16xf32>
    %div3A = vector.broadcast %get3A_4 : vector<1x16xf32> to vector<400x16xf32>
    %div3A_5 = arith.divf %get3A_1, %div3A : vector<400x16xf32>
    %concatenate3A = tpu.concatenate %div3A_5, %div3A_5 in 1 : vector<400x16xf32>, vector<400x16xf32> -> vector<400x32xf32>
    %swap3A = arith.constant 0 : index
    %swap3A_6 = arith.constant 0 : index
    %swap3A_7 = vector.load %arg3[%swap3A, %swap3A_6] : memref<400x32xf32, #tpu.memory_space<vmem>>, vector<400x32xf32>
    tpu.vector_store %arg3[%swap3A, %swap3A_6], %concatenate3A {strides = array<i32>} : memref<400x32xf32, #tpu.memory_space<vmem>>, vector<400x32xf32>,
    return
  }
  func.func @transform_0(%arg0: i32) -> (i32, i32) {
    %c0_i32 = arith.constant 0 : i32
    %c0_i32_0 = arith.constant 0 : i32
    return %arg0, %c0_i32 : i32, i32
  }
  func.func @transform_1(%arg0: i32) -> (i32, i32) {
    %c0_i32 = arith.constant 0 : i32
    %c0_i32_0 = arith.constant 0 : i32
    %c0_i32_1 = arith.constant 0 : i32
    return %c0_i32, %c0_i32_0 : i32, i32
  }
  func.func @transform_2(%arg0: i32) -> (i32, i32) {
    %c0_i32 = arith.constant 0 : i32
    %c0_i32_0 = arith.constant 0 : i32
    return %arg0, %c0_i32 : i32, i32
  }
}

</mosaic_0001>

<sc_bundles>
// kernel: kernel.10.cloned.1.call-start
scs
__scs_entry_jumppad:
0x0: {  	(pc) =	sbr.rel $0x88, $3  }
0x1: {  	(tag) =	ssettag $0x0;
	lr =	simm.s32 $0x1  }
0x2: {  	[smem:$0x3F94] =	sst lr;
	_ =	strace $0xD0000000  }
0x3: {  	_ = 	snop  }
0x4: {  	_ = 	snop  }
0x5: {  	_ = 	snop  }
0x6: {  	_ = 	snop  }
0x7: {  	_ = 	snop  }
__scs_overlays_trampoline_lowered:
0x8: {  	[smem:$0x3FA3] =	sst s0  }
0x9: {  	[smem:$0x3FA4] =	sst s1  }
0xa: {  	[smem:$0x3FA5] =	sst s2  }
0xb: {  	[smem:$0x3FA6] =	sst s3  }
0xc: {  	[smem:$0x3FA7] =	sst s4  }
0xd: {  	[smem:$0x3FA8] =	sst s5  }
0xe: {  	[smem:$0x3FA9] =	sst s6  }
0xf: {  	[smem:$0x3FAA] =	sst s7  }
0x10: {  	[smem:$0x3FAB] =	sst s8  }
0x11: {  	[smem:$0x3FAC] =	sst s9;
	s0 =	simm.s32 @!p0 $0x0  }
0x12: {  	s1 =	sld [smem:$0x3F92];
	s0 =	simm.s32 @p0 $0x1  }
0x13: {  	[smem:$0x3FAD] =	sst s0;
	s0 =	simm.s32 @!p1 $0x0  }
0x14: {  	s2 =	sld [smem:$0x3F91];
	s0 =	simm.s32 @p1 $0x1  }
0x15: {  	[smem:$0x3FAE] =	sst s0;
	s0 =	simm.s32 @!p2 $0x0  }
0x16: {  	s3 =	sld [smem:$0x3FDB];
	s0 =	simm.s32 @p2 $0x1  }
0x17: {  	s4 =	simm.s32 $0x1BF5;
	[smem:$0x3FB0] =	sst s0  }
0x18: {  	s0 =	sld [smem:$0x3F93];
	_ =	swait.ge [sflag:s4], $0x0  }
0x19: {  	s7 =	sld [smem:$0x3F94]  }
0x1a: {  	s8 =	sadd.s32 $0xFFFFE003, lr  }
0x1b: {  	s9 =	sadd.s32 $0xFFFFFEF7, lr;
	s5 =	simm.s32 $0xFFFFFFFF;
	p2 =	slt.u32 s8, $0xFFFFF086  }
0x1c: {  	p1 =	slt.u32 s9, $0xF7A;
	s5 =	simm.s32 @!p2 $0x0  }
0x1d: {  	s5 =	simm.s32 @p1 $0x1;
	p0 =	seq.s32 s7, s2  }
0x1e: {  	s7 =	smul.u32 @!p0 $0xF7A, s2;
	p2 =	seq.s32 @!p0 s5, $0x0  }
0x1f: {  	s9 =	smul.u32 $0xF7A, s1;
	s8 =	simm.s32 @!p0 $0x1BF5;
	p2 =	por !p2, p0  }
0x20: {  	[sflag:s8] =	ssyncset.s32 @!p0 $0xFFFFF086;
	s6 =	sadd.s32 @!p0 s3, s7;
	s7 =	simm.s32 @!p0 $0x108  }
0x21: {  	s3 =	sadd.s32 s3, s9;
	s6 =	sadd.s32 @!p0 $0x88, s6;
	s7 =	simm.s32 @p2 $0x1082  }
0x22: {  	[simem:s7], [sflag:s8] =	dma.local @!p0 [hbm:s6], $0xF7A  }
0x23: {  	s9 =	sor.u32 $0xD0000000, s2;
	s6 =	simm.s32 $0x108;
	_ =	swait.ge @!p0 [sflag:s8], $0x0  }
0x24: {  	s3 =	sadd.s32 $0x88, s3;
	s6 =	simm.s32 @!p1 $0x1082;
	[sflag:s4] =	ssyncset.s32 $0xFFFFF086  }
0x25: {  	[simem:s6], [sflag:s4] =	dma.local [hbm:s3], $0xF7A  }
0x26: {  	[smem:$0x3F94] =	sst s1;
	(tag) =	ssettag s2;
	_ =	strace s9  }
0x27: {  	s1 =	sld [smem:$0x3FA4]  }
0x28: {  	s2 =	sld [smem:$0x3FA5]  }
0x29: {  	s4 =	sld [smem:$0x3FA7]  }
0x2a: {  	p0 =	seq.s32 s5, $0x0;
	s5 =	sld [smem:$0x3FA8]  }
0x2b: {  	s6 =	sld [smem:$0x3FA9]  }
0x2c: {  	s7 =	sld [smem:$0x3FAA]  }
0x2d: {  	s3 =	simm.s32 $0x108;
	s8 =	sld [smem:$0x3FAB]  }
0x2e: {  	s3 =	simm.s32 @!p0 $0x1082;
	s9 =	sld [smem:$0x3FAC]  }
0x2f: {  	lr =	sadd.s32 s0, s3;
	s0 =	sld [smem:$0x3FA3]  }
0x30: {  	s3 =	sld [smem:$0x3FA6]  }
0x31: {  	[smem:$0x3FAF] =	sst s10  }
0x32: {  	s10 =	sld [smem:$0x3FAD];
	_ =	sdelay $0x3  }
0x33: {  	p0 =	seq.s32 s10, $0x1;
	s10 =	sld [smem:$0x3FAF];
	_ =	sdelay $0x3  }
0x34: {  	[smem:$0x3FAF] =	sst s10  }
0x35: {  	s10 =	sld [smem:$0x3FAE];
	_ =	sdelay $0x3  }
0x36: {  	p1 =	seq.s32 s10, $0x1;
	s10 =	sld [smem:$0x3FAF];
	_ =	sdelay $0x3  }
0x37: {  	[smem:$0x3FAF] =	sst s10  }
0x38: {  	s10 =	sld [smem:$0x3FB0]  }
0x39: {  	_ = 	snop;
	(pc) =	sbr.ind lr, $3  }
0x3a: {  	_ = 	snop  }
0x3b: {  	_ = 	snop  }
0x3c: {  	p2 =	seq.s32 s10, $0x1;
	s10 =	sld [smem:$0x3FAF]  }
0x3d: {  	_ =	shalt  }
0x3e: {  	_ =	shalt  }
0x3f: {  	_ =	shalt  }
0x40: {  	_ =	shalt  }
0x41: {  	_ =	shalt  }
0x42: {  	_ =	shalt  }
0x43: {  	_ =	shalt  }
0x44: {  	_ =	shalt  }
0x45: {  	_ =	shalt  }
0x46: {  	_ =	shalt  }
0x47: {  	_ =	shalt  }
0x48: {  	_ =	shalt  }
0x49: {  	_ =	shalt  }
0x4a: {  	_ =	shalt  }
0x4b: {  	_ =	shalt  }
0x4c: {  	_ =	shalt  }
0x4d: {  	_ =	shalt  }
0x4e: {  	_ =	shalt  }
0x4f: {  	_ =	shalt  }
0x50: {  	_ =	shalt  }
0x51: {  	_ =	shalt  }
0x52: {  	_ =	shalt  }
0x53: {  	_ =	shalt  }
0x54: {  	_ =	shalt  }
0x55: {  	_ =	shalt  }
0x56: {  	_ =	shalt  }
0x57: {  	_ =	shalt  }
0x58: {  	_ =	shalt  }
0x59: {  	_ =	shalt  }
0x5a: {  	_ =	shalt  }
0x5b: {  	_ =	shalt  }
0x5c: {  	_ =	shalt  }
0x5d: {  	_ =	shalt  }
0x5e: {  	_ =	shalt  }
0x5f: {  	_ =	shalt  }
0x60: {  	_ =	shalt  }
0x61: {  	_ =	shalt  }
0x62: {  	_ =	shalt  }
0x63: {  	_ =	shalt  }
0x64: {  	_ =	shalt  }
0x65: {  	_ =	shalt  }
0x66: {  	_ =	shalt  }
0x67: {  	_ =	shalt  }
0x68: {  	_ =	shalt  }
0x69: {  	_ =	shalt  }
0x6a: {  	_ =	shalt  }
0x6b: {  	_ =	shalt  }
0x6c: {  	_ =	shalt  }
0x6d: {  	_ =	shalt  }
0x6e: {  	_ =	shalt  }
0x6f: {  	_ =	shalt  }
0x70: {  	_ =	shalt  }
0x71: {  	_ =	shalt  }
0x72: {  	_ =	shalt  }
0x73: {  	_ =	shalt  }
0x74: {  	_ =	shalt  }
0x75: {  	_ =	shalt  }
0x76: {  	_ =	shalt  }
0x77: {  	_ =	shalt  }
0x78: {  	_ =	shalt  }
0x79: {  	_ =	shalt  }
0x7a: {  	_ =	shalt  }
0x7b: {  	_ =	shalt  }
0x7c: {  	_ =	shalt  }
0x7d: {  	_ =	shalt  }
0x7e: {  	_ =	shalt  }
0x7f: {  	_ =	shalt  }
0x80: {  	_ =	shalt  }
0x81: {  	_ =	shalt  }
0x82: {  	_ =	shalt  }
0x83: {  	_ =	shalt  }
0x84: {  	_ =	shalt  }
0x85: {  	_ =	shalt  }
0x86: {  	_ =	shalt  }
0x87: {  	_ =	shalt  }
.Lfunc_end0:
.L_simem_size_0:
called_computation.1_lowered:
.L_overlay_start_0:
0x88: {  	s2 =	sld [smem:$0x3FD9]  }
0x89: {  	s3 =	sld [smem:$0x3FFE];
	_ =	sdelay $0x1  }
0x8a: {  	s1 =	srdreg.scid  }
0x8b: {  	s0 =	sand.u32 $0x1, s1  }
0x8c: {  	s17 =	sshll.u32 s0, $0xA;
	s2 =	sadd.s32 s3, s2  }
0x8d: {  	s2 =	sadd.s32 s2, s17  }
0x8e: {  	[smem:$0x3FBB] =	sst s2  }
0x8f: {  	_ = 	snop  }
0x90: {  	s2 =	sld [smem:$0x3FD0];
	(tm) =	ssettm $0x1  }
0x91: {  	s18 =	sld [smem:$0x3FFB];
	_ =	sdelay $0x3  }
0x92: {  	_ =	strace s18  }
0x93: {  	s3 =	sld [smem:$0x3FFC];
	_ =	sdelay $0x3  }
0x94: {  	_ =	strace s3  }
0x95: {  	s3 =	sld [smem:$0x3FFD];
	_ =	sdelay $0x3  }
0x96: {  	_ =	strace s3  }
0x97: {  	_ =	strace $0x8FFFFFFF  }
0x98: {  	s19 =	sld [smem:$0x3FDB];
	_ =	sdelay $0x1  }
0x99: {  	s4 =	simm.s32 $_scs_section_size  }
0x9a: {  	s5 =	simm.s32 $_size__tile_overlayer_lowered;
	s6 =	simm.s32 $_tile_overlayer_lowered  }
0x9b: {  	s22 =	simm.s32 $0x1BFF;
	s21 =	sshll.u32 s6, $0x1;
	s3 =	sadd.s32 s4, s19  }
0x9c: {  	s7 =	simm.s32 $0x0;
	s20 =	sshll.u32 s5, $0x1;
	s5 =	sadd.s32 s21, s3  }
0x9d: {  	[timem:s7], [sflag:s22] =	dma.local [hbm:s5], s20  }
0x9e: {  	_ =	swait.ge [sflag:s22], s20  }
0x9f: {  	s4 =	ssub.s32 $0x0, s20;
	[sflag:s22] =	ssyncset.done $0x0  }
0xa0: {  	[sflag:s22] =	ssyncadd.s32 s4;
	_ =	sdelay $0x1  }
0xa1: {  	s23 =	simm.s32 $0x1B8B  }
0xa2: {  	_ =	swait.ge [sflag:s23], $0x1  }
0xa3: {  	[sflag:s23] =	ssyncset.done $0x0  }
0xa4: {  	s25 =	simm.s32 $0x1B8E;
	s24 =	sld [smem:$0x3FFE];
	[sflag:s23] =	ssyncadd.s32 $0xFFFFFFFF  }
0xa5: {  	s26 =	simm.s32 $execute0_lowered;
	[smem:$0x3FD2] =	sst s25  }
0xa6: {  	s5 =	sshll.u32 s26, $0x1;
	_ =	strace $0x80000049;
	[dreg:$0x1] =	wrdreg $0xFFFFFFFF  }
0xa7: {  	s28 =	simm.s32 $_size_execute0_lowered;
	s3 =	sadd.s32 s3, s5;
	[dreg:$0x0] =	wrdreg $0x0  }
0xa8: {  	s5 =	sshll.u32 s28, $0x1;
	[dreg:$0x2] =	wrdreg s3  }
0xa9: {  	[dreg:$0x3] =	wrdreg s5  }
0xaa: {  	[dreg:$0x4] =	wrdreg $0xC0  }
0xab: {  	_ =	task [dreg:s7], $0x5FFFF  }
0xac: {  	[dreg:$0x1] =	wrdreg $0xFFFFFFFF  }
0xad: {  	[dreg:$0x0] =	wrdreg $0x60  }
0xae: {  	[dreg:$0x2] =	wrdreg s24  }
0xaf: {  	[dreg:$0x3] =	wrdreg s2  }
0xb0: {  	[dreg:$0x4] =	wrdreg $0x0  }
0xb1: {  	[dreg:$0x5] =	wrdreg $0x9  }
0xb2: {  	_ =	task.clear_ibuf [dreg:s7], $0x6FFFF;
	_ =	strace $0x90000049  }
0xb3: {  	s29 =	simm.s32 $0x9;
	_ =	strace $0x8000004B  }
0xb4: {  	_ =	swait.ge [sflag:s29], $0x1  }
0xb5: {  	[sflag:s29] =	ssyncadd.s32 $0xFFFFFFFF  }
0xb6: {  	_ =	strace $0x9000004B  }
0xb7: {  	_ =	sfence  }
0xb8: {  	s30 =	sld [smem:$0x0];
	_ =	sdelay $0x2  }
0xb9: {  	s31 =	sshll.u32 s1, $0xD;
	s1 =	sshrl.u32 s1, $0x2  }
0xba: {  	s3 =	sand.u32 $0x4000, s31;
	s1 =	sadd.s32 s1, s30  }
0xbb: {  	s0 =	sor.u32 s3, s0;
	s1 =	sshll.u32 s1, $0x11  }
0xbc: {  	s0 =	sor.u32 s1, s0  }
0xbd: {  	s0 =	sadd.s32 $0x8F2B, s0  }
0xbe: {  	[sflag:s0] =	ssyncadd.remote.s32 $0x1  }
0xbf: {  	_ =	sfence.sel $0xFFFF  }
0xc0: {  	[dreg:$0x0] =	wrdreg $0xFFFFFFFF;
	(pc) =	sbr.abs _section_cstart, $3  }
0xc1: {  	[dreg:$0x1] =	wrdreg $0xFFFFFFFF  }
0xc2: {  	_ =	task.clear_ibuf [dreg:s7], $0x2FFFF;
	_ =	strace $0x9FFFFFFF  }
0xc3: {  	(tm) =	ssettm $0x7FFFFFFF  }
tec
execute0_lowered:
.L_overlay_start_1:
0x0: {  	(tag) =	ssettag $0x1  }
0x1: {  	s4 =	rddreg [dreg:$0x0]  }
0x2: {  	s11 =	rddreg [dreg:$0x1]  }
0x3: {  	s2 =	rddreg [dreg:$0x2];
	s1 =	stileid.u32  }
0x4: {  	s0 =	rddreg [dreg:$0x3];
	s24 =	smul.u32 $0x61A8, s1  }
0x5: {  	s5 =	srdreg.scid;
	s3 =	simm.s32 $0x0;
	s14 =	smul.u32 $0xC80, s1  }
0x6: {  	s8 =	sand.u32 $0x1, s5;
	[smem:$0x7FF] =	sst s3;
	s31 =	smul.u32 $0x190, s1  }
0x7: {  	s28 =	sshll.u32 s1, $0x6;
	s6 =	smul.u32 $0x61A80, s8;
	s7 =	ssub.s32 $0x2, s8  }
0x8: {  	_ =	strace $0x8000004A;
	s29 =	smul.u32 $0x7D, s8;
	p0 =	seq.s32 s8, $0x1  }
0x9: {  	s5 =	sor.u32 $0x1C01, s28;
	s15 =	smul.u32 $0xC350, s8;
	s9 =	sshrl.u32 s24, $0x3  }
0xa: {  	s10 =	sshrl.u32 s7, $0x1;
	s13 =	sadd.s32 s24, s2;
	s12 =	sadd.s32 s6, s4  }
0xb: {  	s25 =	sadd.s32 s9, s4;
	s26 =	ssub.s32 s7, s10;
	s7 =	simm.s32 $0xDE00  }
0xc: {  	s8 =	sadd.s32 $0x7D, s29;
	s11 =	sadd.s32 s15, s11;
	s4 =	sadd.s32 $0x1A00, s25  }
0xd: {  	s7 =	simm.s32 @!p0 $0x1A200;
	s30 =	sadd.s32 s14, s12;
	s9 =	smax.u32 s26, $0x1  }
0xe: {  	s11 =	sadd.s32 s31, s11;
	s12 =	sshrl.u32 s13, $0x3;
	s13 =	simm.s32 $0x1  }
0xf: {  	s6 =	sadd.s32 s7, s25;
	s7 =	sadd.s32 s1, s29;
	s10 =	sadd.s32 $0xF9200, s30  }
.LBB2_1:
0x10: {  	[spmem:s12], [sflag:s5] =	dma.local [hbm:s4], $0xC35  }
0x11: {  	s14 =	sadd.s32 $0x0, s7;
	_ =	swait.ge [sflag:s13], $0xC35  }
0x12: {  	p0 =	sge.u32 s14, s8;
	[sflag:s13] =	ssyncset.done $0x0  }
0x13: {  	s14 =	simm.s32 @!p0 $0x0;
	[sflag:s13] =	ssyncadd.s32 $0xFFFFF3CB  }
0x14: {  	s16 =	simm.s32 @!p0 $0x61A8;
	s17 =	simm.s32 @!p0 $0x2;
	[bflag:$0x0] =	sbarrier.arrive $0xFFFF  }
0x15: {  	[tilespmem:s16], [sflag:$0x2] =	stream.linear.gather @!p0 [hbm4b:s10+s14], $0x6400, $0x38;
	[tilespmem:$0xD228] =	vst v63  }
0x16: {  	_ =	swait.ge @!p0 [sflag:s17], $0x6400;
	p0 =	por p0, p0  }
0x17: {  	[sflag:s17] =	ssyncset.done @!p0 $0x0  }
0x18: {  	s18 =	simm.s32 @!p0 $0xC5A8;
	[sflag:s17] =	ssyncadd.s32 @!p0 $0xFFFF9C00  }
0x19: {  	[tilespmem:s18], [sflag:$0x2] =	stream.linear.gather @!p0 [hbm4b:s11+s14], $0xC80, $0x38;
	[tilespmem:$0xD228] =	vst v63  }
0x1a: {  	s31 =	sadd.s32 $0x10, s7;
	_ =	swait.ge @!p0 [sflag:s17], $0xC80  }
0x1b: {  	s15 =	simm.s32 $0x20;
	p1 =	sge.u32 s31, s8;
	[sflag:s17] =	ssyncset.done @!p0 $0x0  }
0x1c: {  	s14 =	simm.s32 @!p0 $0xC80;
	[sflag:s17] =	ssyncadd.s32 @!p0 $0xFFFFF380;
	s17 =	simm.s32 @!p0 $0x1  }
0x1d: {  	[spmem:s2] =	stream.indirect.scatter.add.f32 @!p0 [tilespmem:s16], [sflag:$0x1], $0x8, s18, s14, $0xb8;
	[tilespmem:$0xD228] =	vst v63  }
0x1e: {  	s14 =	sadd.s32 $0x1900, s11;
	s16 =	sadd.s32 $0xC800, s10;
	_ =	swait.ge @!p0 [sflag:s17], $0x6400  }
.LBB2_2:
0x1f: {  	s18 =	simm.s32 @!p1 $0x0  }
0x20: {  	s19 =	simm.s32 @!p1 $0x61A8;
	[sflag:s17] =	ssyncset.done @!p0 $0x0;
	s20 =	smov.u32 s15  }
0x21: {  	s15 =	sadd.s32 $0x10, s15;
	s21 =	simm.s32 @!p1 $0x2;
	[sflag:s17] =	ssyncadd.s32 @!p0 $0xFFFF9C00  }
0x22: {  	[tilespmem:s19], [sflag:$0x2] =	stream.linear.gather @!p1 [hbm4b:s16+s18], $0x6400, $0x38;
	[tilespmem:$0xD228] =	vst v63  }
0x23: {  	p2 =	sne.s32 s15, $0x80;
	p0 =	por p1, p1;
	_ =	swait.ge @!p1 [sflag:s21], $0x6400  }
0x24: {  	[sflag:s21] =	ssyncset.done @!p0 $0x0  }
0x25: {  	s22 =	simm.s32 @!p0 $0xC5A8;
	[sflag:s21] =	ssyncadd.s32 @!p0 $0xFFFF9C00  }
0x26: {  	[tilespmem:s22], [sflag:$0x2] =	stream.linear.gather @!p0 [hbm4b:s14+s18], $0xC80, $0x38;
	[tilespmem:$0xD228] =	vst v63  }
.Ltmp0:
0x27: {  	_ =	swait.ge @!p0 [sflag:s21], $0xC80;
	(pc) =	sbr.rel @p2 .LBB2_2-.Ltmp0, $4  }
0x28: {  	s17 =	simm.s32 @!p0 $0x1;
	s14 =	sadd.s32 $0x1900, s14;
	[sflag:s21] =	ssyncset.done @!p0 $0x0  }
0x29: {  	s18 =	sadd.s32 s20, s7;
	s20 =	simm.s32 @!p0 $0xC80;
	[sflag:s21] =	ssyncadd.s32 @!p0 $0xFFFFF380  }
0x2a: {  	[spmem:s2] =	stream.indirect.scatter.add.f32 @!p0 [tilespmem:s19], [sflag:$0x1], $0x8, s22, s20, $0xb8;
	[tilespmem:$0xD228] =	vst v63  }
0x2b: {  	s16 =	sadd.s32 $0xC800, s16;
	p1 =	sge.u32 s18, s8;
	_ =	swait.ge @!p0 [sflag:s17], $0x6400  }
0x2c: {  	s15 =	simm.s32 @!p1 $0x0;
	[sflag:s17] =	ssyncset.done @!p0 $0x0  }
0x2d: {  	s18 =	simm.s32 @!p1 $0x61A8;
	s19 =	simm.s32 @!p1 $0x2;
	[sflag:s17] =	ssyncadd.s32 @!p0 $0xFFFF9C00  }
0x2e: {  	[tilespmem:s18], [sflag:$0x2] =	stream.linear.gather @!p1 [hbm4b:s16+s15], $0x6400, $0x38;
	[tilespmem:$0xD228] =	vst v63  }
0x2f: {  	p0 =	por p1, p1;
	_ =	swait.ge @!p1 [sflag:s19], $0x6400  }
0x30: {  	[sflag:s19] =	ssyncset.done @!p0 $0x0  }
0x31: {  	s16 =	simm.s32 @!p0 $0xC5A8;
	[sflag:s19] =	ssyncadd.s32 @!p0 $0xFFFF9C00  }
0x32: {  	[tilespmem:s16], [sflag:$0x2] =	stream.linear.gather @!p0 [hbm4b:s14+s15], $0xC80, $0x38;
	[tilespmem:$0xD228] =	vst v63  }
0x33: {  	_ =	swait.ge @!p0 [sflag:s19], $0xC80  }
0x34: {  	[sflag:s19] =	ssyncset.done @!p0 $0x0  }
0x35: {  	s14 =	simm.s32 @!p0 $0x1;
	s15 =	simm.s32 @!p0 $0xC80;
	[sflag:s19] =	ssyncadd.s32 @!p0 $0xFFFFF380  }
0x36: {  	[spmem:s2] =	stream.indirect.scatter.add.f32 @!p0 [tilespmem:s18], [sflag:$0x1], $0x8, s16, s15, $0xb8;
	[tilespmem:$0xD228] =	vst v63  }
0x37: {  	_ =	swait.ge @!p0 [sflag:s14], $0x6400  }
0x38: {  	s3 =	sadd.s32 $0x1, s3;
	[sflag:s14] =	ssyncset.done @!p0 $0x0  }
0x39: {  	[sflag:s14] =	ssyncadd.s32 @!p0 $0xFFFF9C00;
	p0 =	sne.s32 s3, s9  }
.Ltmp1:
0x3a: {  	[bflag:$0x0] =	sbarrier.arrive $0xFFFF;
	(pc) =	sbr.rel @p0 .LBB2_1-.Ltmp1, $4  }
0x3b: {  	[hbm:s6], [sflag:s5] =	dma.local [spmem:s12], $0xC35  }
0x3c: {  	_ =	swait.ge [sflag:s13], $0xC35  }
0x3d: {  	[sflag:s13] =	ssyncset.done $0x0  }
0x3e: {  	[sflag:s13] =	ssyncadd.s32 $0xFFFFF3CB  }
0x3f: {  	_ =	sfence.sel $0x180000  }
0x40: {  	[bflag:$0x0] =	sbarrier.arrive $0xFFFF  }
0x41: {  	p0 =	sne.s32 s1, $0x0;
	_ =	strace $0x9000004A  }
0x42: {  	s0 =	sadd.s32 @!p0 $0x100000, s0;
	[bflag:$0x2] =	sbarrier.arrive $0xFFFF  }
0x43: {  	[sflag:s0] =	ssyncadd.tile.s32 @!p0 $0x1;
	_ =	shalt  }
.Lfunc_end2:
_tile_overlayer_lowered:
.L_overlay_start_2:
0x44: {  	(tag) =	ssettag $0x2  }
0x45: {  	s0 =	rddreg [dreg:$0x0];
	s2 =	stileid.u32  }
0x46: {  	s1 =	rddreg [dreg:$0x1];
	p0 =	sne.s32 s2, $0x0  }
0x47: {  	s3 =	rddreg [dreg:$0x2];
	[bflag:$0x3] =	sbarrier.arrive $0xFFFF;
	s2 =	simm.s32 @!p0 $0x1C01  }
0x48: {  	[timem:s3], [sflag:s2] =	dma.local @!p0 [hbm:s0], s1  }
0x49: {  	s0 =	simm.s32 @!p0 $0x1  }
0x4a: {  	_ =	swait.ge @!p0 [sflag:s0], s1  }
0x4b: {  	s1 =	ssub.s32 @!p0 $0x0, s1;
	[sflag:s0] =	ssyncset.done @!p0 $0x0  }
0x4c: {  	[sflag:s0] =	ssyncadd.s32 @!p0 s1  }
0x4d: {  	[bflag:$0x3] =	sbarrier.arrive $0xFFFF  }
0x4e: {  	_ =	shalt  }

// kernel: kernel.7.cloned.1.call-start
scs
__scs_entry_jumppad:
0x0: {  	(pc) =	sbr.rel $0x88, $3  }
0x1: {  	(tag) =	ssettag $0x0;
	lr =	simm.s32 $0x1  }
0x2: {  	[smem:$0x3F94] =	sst lr;
	_ =	strace $0xD0000000  }
0x3: {  	_ = 	snop  }
0x4: {  	_ = 	snop  }
0x5: {  	_ = 	snop  }
0x6: {  	_ = 	snop  }
0x7: {  	_ = 	snop  }
__scs_overlays_trampoline_lowered:
0x8: {  	[smem:$0x3FA3] =	sst s0  }
0x9: {  	[smem:$0x3FA4] =	sst s1  }
0xa: {  	[smem:$0x3FA5] =	sst s2  }
0xb: {  	[smem:$0x3FA6] =	sst s3  }
0xc: {  	[smem:$0x3FA7] =	sst s4  }
0xd: {  	[smem:$0x3FA8] =	sst s5  }
0xe: {  	[smem:$0x3FA9] =	sst s6  }
0xf: {  	[smem:$0x3FAA] =	sst s7  }
0x10: {  	[smem:$0x3FAB] =	sst s8  }
0x11: {  	[smem:$0x3FAC] =	sst s9;
	s0 =	simm.s32 @!p0 $0x0  }
0x12: {  	s1 =	sld [smem:$0x3F92];
	s0 =	simm.s32 @p0 $0x1  }
0x13: {  	[smem:$0x3FAD] =	sst s0;
	s0 =	simm.s32 @!p1 $0x0  }
0x14: {  	s2 =	sld [smem:$0x3F91];
	s0 =	simm.s32 @p1 $0x1  }
0x15: {  	[smem:$0x3FAE] =	sst s0;
	s0 =	simm.s32 @!p2 $0x0  }
0x16: {  	s3 =	sld [smem:$0x3FDB];
	s0 =	simm.s32 @p2 $0x1  }
0x17: {  	s4 =	simm.s32 $0x1BF5;
	[smem:$0x3FB0] =	sst s0  }
0x18: {  	s0 =	sld [smem:$0x3F93];
	_ =	swait.ge [sflag:s4], $0x0  }
0x19: {  	s7 =	sld [smem:$0x3F94]  }
0x1a: {  	s8 =	sadd.s32 $0xFFFFE003, lr  }
0x1b: {  	s9 =	sadd.s32 $0xFFFFFEF7, lr;
	s5 =	simm.s32 $0xFFFFFFFF;
	p2 =	slt.u32 s8, $0xFFFFF086  }
0x1c: {  	p1 =	slt.u32 s9, $0xF7A;
	s5 =	simm.s32 @!p2 $0x0  }
0x1d: {  	s5 =	simm.s32 @p1 $0x1;
	p0 =	seq.s32 s7, s2  }
0x1e: {  	s7 =	smul.u32 @!p0 $0xF7A, s2;
	p2 =	seq.s32 @!p0 s5, $0x0  }
0x1f: {  	s9 =	smul.u32 $0xF7A, s1;
	s8 =	simm.s32 @!p0 $0x1BF5;
	p2 =	por !p2, p0  }
0x20: {  	[sflag:s8] =	ssyncset.s32 @!p0 $0xFFFFF086;
	s6 =	sadd.s32 @!p0 s3, s7;
	s7 =	simm.s32 @!p0 $0x108  }
0x21: {  	s3 =	sadd.s32 s3, s9;
	s6 =	sadd.s32 @!p0 $0x88, s6;
	s7 =	simm.s32 @p2 $0x1082  }
0x22: {  	[simem:s7], [sflag:s8] =	dma.local @!p0 [hbm:s6], $0xF7A  }
0x23: {  	s9 =	sor.u32 $0xD0000000, s2;
	s6 =	simm.s32 $0x108;
	_ =	swait.ge @!p0 [sflag:s8], $0x0  }
0x24: {  	s3 =	sadd.s32 $0x88, s3;
	s6 =	simm.s32 @!p1 $0x1082;
	[sflag:s4] =	ssyncset.s32 $0xFFFFF086  }
0x25: {  	[simem:s6], [sflag:s4] =	dma.local [hbm:s3], $0xF7A  }
0x26: {  	[smem:$0x3F94] =	sst s1;
	(tag) =	ssettag s2;
	_ =	strace s9  }
0x27: {  	s1 =	sld [smem:$0x3FA4]  }
0x28: {  	s2 =	sld [smem:$0x3FA5]  }
0x29: {  	s4 =	sld [smem:$0x3FA7]  }
0x2a: {  	p0 =	seq.s32 s5, $0x0;
	s5 =	sld [smem:$0x3FA8]  }
0x2b: {  	s6 =	sld [smem:$0x3FA9]  }
0x2c: {  	s7 =	sld [smem:$0x3FAA]  }
0x2d: {  	s3 =	simm.s32 $0x108;
	s8 =	sld [smem:$0x3FAB]  }
0x2e: {  	s3 =	simm.s32 @!p0 $0x1082;
	s9 =	sld [smem:$0x3FAC]  }
0x2f: {  	lr =	sadd.s32 s0, s3;
	s0 =	sld [smem:$0x3FA3]  }
0x30: {  	s3 =	sld [smem:$0x3FA6]  }
0x31: {  	[smem:$0x3FAF] =	sst s10  }
0x32: {  	s10 =	sld [smem:$0x3FAD];
	_ =	sdelay $0x3  }
0x33: {  	p0 =	seq.s32 s10, $0x1;
	s10 =	sld [smem:$0x3FAF];
	_ =	sdelay $0x3  }
0x34: {  	[smem:$0x3FAF] =	sst s10  }
0x35: {  	s10 =	sld [smem:$0x3FAE];
	_ =	sdelay $0x3  }
0x36: {  	p1 =	seq.s32 s10, $0x1;
	s10 =	sld [smem:$0x3FAF];
	_ =	sdelay $0x3  }
0x37: {  	[smem:$0x3FAF] =	sst s10  }
0x38: {  	s10 =	sld [smem:$0x3FB0]  }
0x39: {  	_ = 	snop;
	(pc) =	sbr.ind lr, $3  }
0x3a: {  	_ = 	snop  }
0x3b: {  	_ = 	snop  }
0x3c: {  	p2 =	seq.s32 s10, $0x1;
	s10 =	sld [smem:$0x3FAF]  }
0x3d: {  	_ =	shalt  }
0x3e: {  	_ =	shalt  }
0x3f: {  	_ =	shalt  }
0x40: {  	_ =	shalt  }
0x41: {  	_ =	shalt  }
0x42: {  	_ =	shalt  }
0x43: {  	_ =	shalt  }
0x44: {  	_ =	shalt  }
0x45: {  	_ =	shalt  }
0x46: {  	_ =	shalt  }
0x47: {  	_ =	shalt  }
0x48: {  	_ =	shalt  }
0x49: {  	_ =	shalt  }
0x4a: {  	_ =	shalt  }
0x4b: {  	_ =	shalt  }
0x4c: {  	_ =	shalt  }
0x4d: {  	_ =	shalt  }
0x4e: {  	_ =	shalt  }
0x4f: {  	_ =	shalt  }
0x50: {  	_ =	shalt  }
0x51: {  	_ =	shalt  }
0x52: {  	_ =	shalt  }
0x53: {  	_ =	shalt  }
0x54: {  	_ =	shalt  }
0x55: {  	_ =	shalt  }
0x56: {  	_ =	shalt  }
0x57: {  	_ =	shalt  }
0x58: {  	_ =	shalt  }
0x59: {  	_ =	shalt  }
0x5a: {  	_ =	shalt  }
0x5b: {  	_ =	shalt  }
0x5c: {  	_ =	shalt  }
0x5d: {  	_ =	shalt  }
0x5e: {  	_ =	shalt  }
0x5f: {  	_ =	shalt  }
0x60: {  	_ =	shalt  }
0x61: {  	_ =	shalt  }
0x62: {  	_ =	shalt  }
0x63: {  	_ =	shalt  }
0x64: {  	_ =	shalt  }
0x65: {  	_ =	shalt  }
0x66: {  	_ =	shalt  }
0x67: {  	_ =	shalt  }
0x68: {  	_ =	shalt  }
0x69: {  	_ =	shalt  }
0x6a: {  	_ =	shalt  }
0x6b: {  	_ =	shalt  }
0x6c: {  	_ =	shalt  }
0x6d: {  	_ =	shalt  }
0x6e: {  	_ =	shalt  }
0x6f: {  	_ =	shalt  }
0x70: {  	_ =	shalt  }
0x71: {  	_ =	shalt  }
0x72: {  	_ =	shalt  }
0x73: {  	_ =	shalt  }
0x74: {  	_ =	shalt  }
0x75: {  	_ =	shalt  }
0x76: {  	_ =	shalt  }
0x77: {  	_ =	shalt  }
0x78: {  	_ =	shalt  }
0x79: {  	_ =	shalt  }
0x7a: {  	_ =	shalt  }
0x7b: {  	_ =	shalt  }
0x7c: {  	_ =	shalt  }
0x7d: {  	_ =	shalt  }
0x7e: {  	_ =	shalt  }
0x7f: {  	_ =	shalt  }
0x80: {  	_ =	shalt  }
0x81: {  	_ =	shalt  }
0x82: {  	_ =	shalt  }
0x83: {  	_ =	shalt  }
0x84: {  	_ =	shalt  }
0x85: {  	_ =	shalt  }
0x86: {  	_ =	shalt  }
0x87: {  	_ =	shalt  }
.Lfunc_end0:
.L_simem_size_0:
called_computation_lowered:
.L_overlay_start_0:
0x88: {  	s2 =	sld [smem:$0x3FD9]  }
0x89: {  	s3 =	sld [smem:$0x3FFE];
	_ =	sdelay $0x1  }
0x8a: {  	s1 =	srdreg.scid  }
0x8b: {  	s0 =	sand.u32 $0x1, s1  }
0x8c: {  	s17 =	sshll.u32 s0, $0xA;
	s2 =	sadd.s32 s3, s2  }
0x8d: {  	s2 =	sadd.s32 s2, s17  }
0x8e: {  	[smem:$0x3FBB] =	sst s2  }
0x8f: {  	_ = 	snop  }
0x90: {  	s2 =	sld [smem:$0x3FD0];
	(tm) =	ssettm $0x1  }
0x91: {  	s18 =	sld [smem:$0x3FFB];
	_ =	sdelay $0x3  }
0x92: {  	_ =	strace s18  }
0x93: {  	s3 =	sld [smem:$0x3FFC];
	_ =	sdelay $0x3  }
0x94: {  	_ =	strace s3  }
0x95: {  	s3 =	sld [smem:$0x3FFD];
	_ =	sdelay $0x3  }
0x96: {  	_ =	strace s3  }
0x97: {  	_ =	strace $0x8FFFFFFF  }
0x98: {  	s19 =	sld [smem:$0x3FDB];
	_ =	sdelay $0x1  }
0x99: {  	s4 =	simm.s32 $_scs_section_size  }
0x9a: {  	s5 =	simm.s32 $_size__tile_overlayer_lowered;
	s6 =	simm.s32 $_tile_overlayer_lowered  }
0x9b: {  	s22 =	simm.s32 $0x1BFF;
	s21 =	sshll.u32 s6, $0x1;
	s3 =	sadd.s32 s4, s19  }
0x9c: {  	s7 =	simm.s32 $0x0;
	s20 =	sshll.u32 s5, $0x1;
	s5 =	sadd.s32 s21, s3  }
0x9d: {  	[timem:s7], [sflag:s22] =	dma.local [hbm:s5], s20  }
0x9e: {  	_ =	swait.ge [sflag:s22], s20  }
0x9f: {  	s4 =	ssub.s32 $0x0, s20;
	[sflag:s22] =	ssyncset.done $0x0  }
0xa0: {  	[sflag:s22] =	ssyncadd.s32 s4;
	_ =	sdelay $0x1  }
0xa1: {  	s23 =	simm.s32 $0x1B8B  }
0xa2: {  	_ =	swait.ge [sflag:s23], $0x1  }
0xa3: {  	[sflag:s23] =	ssyncset.done $0x0  }
0xa4: {  	s25 =	simm.s32 $0x1B8E;
	s24 =	sld [smem:$0x3FFE];
	[sflag:s23] =	ssyncadd.s32 $0xFFFFFFFF  }
0xa5: {  	s26 =	simm.s32 $execute0_lowered;
	[smem:$0x3FD2] =	sst s25  }
0xa6: {  	s5 =	sshll.u32 s26, $0x1;
	_ =	strace $0x80000046;
	[dreg:$0x1] =	wrdreg $0xFFFFFFFF  }
0xa7: {  	s28 =	simm.s32 $_size_execute0_lowered;
	s3 =	sadd.s32 s3, s5;
	[dreg:$0x0] =	wrdreg $0x0  }
0xa8: {  	s5 =	sshll.u32 s28, $0x1;
	[dreg:$0x2] =	wrdreg s3  }
0xa9: {  	[dreg:$0x3] =	wrdreg s5  }
0xaa: {  	[dreg:$0x4] =	wrdreg $0xC0  }
0xab: {  	_ =	task [dreg:s7], $0x5FFFF  }
0xac: {  	[dreg:$0x1] =	wrdreg $0xFFFFFFFF  }
0xad: {  	[dreg:$0x0] =	wrdreg $0x60  }
0xae: {  	[dreg:$0x2] =	wrdreg s24  }
0xaf: {  	[dreg:$0x3] =	wrdreg s2  }
0xb0: {  	[dreg:$0x4] =	wrdreg $0x9  }
0xb1: {  	_ =	task.clear_ibuf [dreg:s7], $0x5FFFF;
	_ =	strace $0x90000046  }
0xb2: {  	s29 =	simm.s32 $0x9;
	_ =	strace $0x80000048  }
0xb3: {  	_ =	swait.ge [sflag:s29], $0x1  }
0xb4: {  	[sflag:s29] =	ssyncadd.s32 $0xFFFFFFFF  }
0xb5: {  	_ =	strace $0x90000048  }
0xb6: {  	_ =	sfence  }
0xb7: {  	s30 =	sld [smem:$0x0];
	_ =	sdelay $0x2  }
0xb8: {  	s31 =	sshll.u32 s1, $0xD;
	s1 =	sshrl.u32 s1, $0x2  }
0xb9: {  	s3 =	sand.u32 $0x4000, s31;
	s1 =	sadd.s32 s1, s30  }
0xba: {  	s0 =	sor.u32 s3, s0;
	s1 =	sshll.u32 s1, $0x11  }
0xbb: {  	s0 =	sor.u32 s1, s0  }
0xbc: {  	s0 =	sadd.s32 $0x8F2B, s0  }
0xbd: {  	[sflag:s0] =	ssyncadd.remote.s32 $0x1  }
0xbe: {  	_ =	sfence.sel $0xFFFF  }
0xbf: {  	[dreg:$0x0] =	wrdreg $0xFFFFFFFF;
	(pc) =	sbr.abs _section_cstart, $3  }
0xc0: {  	[dreg:$0x1] =	wrdreg $0xFFFFFFFF  }
0xc1: {  	_ =	task.clear_ibuf [dreg:s7], $0x2FFFF;
	_ =	strace $0x9FFFFFFF  }
0xc2: {  	(tm) =	ssettm $0x7FFFFFFF  }
0xc3: {  	_ =	shalt  }
tec
execute0_lowered:
.L_overlay_start_1:
0x0: {  	(tag) =	ssettag $0x1  }
0x1: {  	s5 =	rddreg [dreg:$0x0]  }
0x2: {  	s1 =	rddreg [dreg:$0x1]  }
0x3: {  	s0 =	rddreg [dreg:$0x2];
	s2 =	simm.s32 $0x0;
	s3 =	srdreg.scid  }
0x4: {  	s11 =	simm.s32 $0x1;
	s12 =	simm.s32 $0x2;
	s13 =	simm.s32 $0x19960  }
.Ltmp0:
0x5: {  	s14 =	simm.s32 $0x0;
	s3 =	sand.u32 $0x1, s3;
	(pc) =	sbr.rel .LBB2_1-.Ltmp0, $4  }
0x6: {  	[smem:$0x7FF] =	sst s2;
	s4 =	sadd.s32 $0x1A200, s5;
	s9 =	ssub.s32 $0x2, s3  }
0x7: {  	s6 =	sadd.s32 $0x1A00, s5;
	s7 =	sadd.s32 $0x1D400, s5;
	s10 =	sshrl.u32 s9, $0x1  }
0x8: {  	v0 =	vlaneseq.u32;
	s8 =	sadd.s32 $0x35C00, s5;
	s5 =	stileid.u32;
	s10 =	ssub.s32 s9, s10  }
0x9: {  	v1 =	vimm.f32 $1.000000000e+00;
	v0 =	vmul.u32 $0x8, v0;
	_ =	strace $0x80000047;
	s9 =	sshll.u32 s5, $0x1;
	s10 =	smax.u32 s10, $0x1  }
.LBB2_7:
0xa: {  	s14 =	sadd.s32 $0x1, s14  }
0xb: {  	p0 =	sne.s32 s14, s10  }
.Ltmp1:
0xc: {  	_ = 	snop;
	(pc) =	sbr.rel @!p0 .LBB2_8-.Ltmp1, $1  }
0xd: {  	_ =	sdelay $0x3  }
.LBB2_1:
.Ltmp2:
0xe: {  	(pc) =	sbr.rel .LBB2_2-.Ltmp2, $4  }
0xf: {  	[tilespmem:s2], [sflag:$0x1] =	stream.linear.gather [hbm4b:s4+s2], $0x186A0, $0x38;
	[tilespmem:$0x1CB60] =	vst v63  }
0x10: {  	_ =	swait.ge [sflag:s11], $0x186A0  }
0x11: {  	[sflag:s11] =	ssyncset.done $0x0  }
0x12: {  	s15 =	simm.s32 $0x0;
	[sflag:s11] =	ssyncadd.s32 $0xFFFE7960  }
.LBB2_6:
0x13: {  	s15 =	sadd.s32 $0x1, s15  }
0x14: {  	p0 =	sne.s32 s15, $0x10  }
.Ltmp3:
0x15: {  	_ = 	snop;
	(pc) =	sbr.rel @!p0 .LBB2_7-.Ltmp3, $1  }
0x16: {  	_ =	sdelay $0x3  }
.LBB2_2:
0x17: {  	s16 =	sshll.u32 s15, $0x5  }
0x18: {  	s16 =	sor.u32 s9, s16  }
0x19: {  	p0 =	sgt.u32 s16, $0x1F3  }
.Ltmp4:
0x1a: {  	_ = 	snop;
	(pc) =	sbr.rel @p0 .LBB2_6-.Ltmp4, $1  }
0x1b: {  	_ =	sdelay $0x3  }
0x1c: {  	s16 =	sor.u32 s3, s16  }
0x1d: {  	s19 =	smul.u32 $0xC8, s16;
	_ =	sdelay $0x1  }
0x1e: {  	s20 =	simm.s32 $0x0;
	s17 =	simm.s32 $0x186A0;
	s18 =	sadd.s32 s6, s19  }
0x1f: {  	[tilespmem:s17], [sflag:$0x2] =	stream.linear.gather [hbm4b:s18+s20], $0x640, $0x38;
	[tilespmem:$0x1CB60] =	vst v63  }
0x20: {  	_ =	swait.ge [sflag:s12], $0x640  }
0x21: {  	[sflag:s12] =	ssyncset.done $0x0  }
0x22: {  	s21 =	sadd.s32 s1, s19;
	s18 =	simm.s32 $0x18CE0;
	[sflag:s12] =	ssyncadd.s32 $0xFFFFF9C0  }
0x23: {  	[tilespmem:s18], [sflag:$0x2] =	stream.linear.gather [hbm4b:s21+s20], $0x640, $0x38;
	[tilespmem:$0x1CB60] =	vst v63  }
0x24: {  	_ =	swait.ge [sflag:s12], $0x640  }
0x25: {  	[sflag:s12] =	ssyncset.done $0x0  }
0x26: {  	s31 =	sadd.s32 s7, s19;
	s19 =	simm.s32 $0x19320;
	[sflag:s12] =	ssyncadd.s32 $0xFFFFF9C0  }
0x27: {  	[tilespmem:s19], [sflag:$0x2] =	stream.linear.gather [hbm4b:s31+s20], $0x640, $0x38;
	[tilespmem:$0x1CB60] =	vst v63  }
0x28: {  	_ =	swait.ge [sflag:s12], $0x640  }
0x29: {  	[sflag:s12] =	ssyncset.done $0x0  }
0x2a: {  	[sflag:s12] =	ssyncadd.s32 $0xFFFFF9C0  }
0x2b: {  	v2 =	vld [tilespmem:s17+$0x0];
	_ =	sdelay $0x1  }
0x2c: {  	v3 =	vld [tilespmem:s18+$0x0];
	_ =	sdelay $0x2  }
0x2d: {  	v2 =	vshll.u32 v2, $0x1  }
0x2e: {  	v4 =	vor.u32 $0x1, v2  }
0x2f: {  	v3 =	vshll.u32 v3, $0x1  }
0x30: {  	v6 =	vmov s20;
	v5 =	vor.u32 $0x1, v3  }
0x31: {  	v6 =	vshll.u32 v6, $0x3  }
0x32: {  	v6 =	vor.u32 v0, v6;
	v2 =	vld.idx.msk [tilespmem:v2+s2+$0x0], $0xffff  }
0x33: {  	v7 =	vor.u32 $0x1, v6;
	v4 =	vld.idx.msk [tilespmem:v4+s2+$0x0], $0xffff  }
0x34: {  	v8 =	vor.u32 $0x2, v6;
	v3 =	vld.idx.msk [tilespmem:v3+s2+$0x0], $0xffff  }
0x35: {  	v9 =	vor.u32 $0x3, v6;
	v5 =	vld.idx.msk [tilespmem:v5+s2+$0x0], $0xffff  }
0x36: {  	v11 =	vor.u32 $0x4, v6;
	v10 =	vld [tilespmem:s19+$0x0]  }
0x37: {  	[tilespmem:v6+s13+$0x0] =	vst.idx.msk $0xffff, v2;
	v2 =	vor.u32 $0x5, v6  }
0x38: {  	[tilespmem:v7+s13+$0x0] =	vst.idx.msk $0xffff, v4  }
0x39: {  	[tilespmem:v8+s13+$0x0] =	vst.idx.msk $0xffff, v3  }
0x3a: {  	[tilespmem:v9+s13+$0x0] =	vst.idx.msk $0xffff, v5  }
0x3b: {  	s20 =	simm.s32 $0x10;
	[tilespmem:v11+s13+$0x0] =	vst.idx.msk $0xffff, v10  }
.LBB2_4:
0x3c: {  	[tilespmem:v2+s13+$0x0] =	vst.idx.msk $0xffff, v1;
	s17 =	sadd.s32 $0x10, s17;
	s18 =	sadd.s32 $0x10, s18;
	s19 =	sadd.s32 $0x10, s19  }
0x3d: {  	p0 =	sne.s32 s20, $0x630;
	s21 =	smov.u32 s20;
	s20 =	sadd.s32 $0x10, s20;
	v2 =	vld [tilespmem:s17+$0x0]  }
0x3e: {  	_ = 	snop  }
0x3f: {  	v3 =	vld [tilespmem:s18+$0x0];
	_ =	sdelay $0x2  }
0x40: {  	v2 =	vshll.u32 v2, $0x1  }
0x41: {  	v4 =	vor.u32 $0x1, v2  }
0x42: {  	v3 =	vshll.u32 v3, $0x1  }
0x43: {  	v5 =	vor.u32 $0x1, v3  }
0x44: {  	v6 =	vmov s21  }
0x45: {  	v6 =	vshll.u32 v6, $0x3;
	v2 =	vld.idx.msk [tilespmem:v2+s2+$0x0], $0xffff  }
0x46: {  	v6 =	vor.u32 v0, v6;
	v4 =	vld.idx.msk [tilespmem:v4+s2+$0x0], $0xffff  }
0x47: {  	v7 =	vor.u32 $0x1, v6;
	v3 =	vld.idx.msk [tilespmem:v3+s2+$0x0], $0xffff  }
0x48: {  	v8 =	vor.u32 $0x2, v6;
	v5 =	vld.idx.msk [tilespmem:v5+s2+$0x0], $0xffff  }
0x49: {  	v9 =	vor.u32 $0x3, v6  }
0x4a: {  	v11 =	vor.u32 $0x4, v6;
	v10 =	vld [tilespmem:s19+$0x0]  }
.Ltmp5:
0x4b: {  	[tilespmem:v6+s13+$0x0] =	vst.idx.msk $0xffff, v2;
	v2 =	vor.u32 $0x5, v6;
	(pc) =	sbr.rel @p0 .LBB2_4-.Ltmp5, $4  }
0x4c: {  	[tilespmem:v7+s13+$0x0] =	vst.idx.msk $0xffff, v4  }
0x4d: {  	[tilespmem:v8+s13+$0x0] =	vst.idx.msk $0xffff, v3  }
0x4e: {  	[tilespmem:v9+s13+$0x0] =	vst.idx.msk $0xffff, v5  }
0x4f: {  	[tilespmem:v11+s13+$0x0] =	vst.idx.msk $0xffff, v10  }
0x50: {  	_ =	sdelay $0x1  }
0x51: {  	s16 =	smul.u32 $0x640, s16;
	_ =	sdelay $0x1  }
.Ltmp6:
0x52: {  	[tilespmem:v2+s13+$0x0] =	vst.idx.msk $0xffff, v1;
	s16 =	sadd.s32 s8, s16;
	(pc) =	sbr.rel .LBB2_6-.Ltmp6, $4  }
0x53: {  	[hbm4b:s16+s2] =	stream.linear.scatter [tilespmem:s13], [sflag:$0x1], $0x3200, $0x38;
	[tilespmem:$0x1CB60] =	vst v63  }
0x54: {  	_ =	swait.ge [sflag:s11], $0x3200  }
0x55: {  	[sflag:s11] =	ssyncset.done $0x0  }
0x56: {  	[sflag:s11] =	ssyncadd.s32 $0xFFFFCE00  }
.LBB2_8:
0x57: {  	_ =	sfence.sel $0x180000  }
0x58: {  	[bflag:$0x0] =	sbarrier.arrive $0xFFFF  }
0x59: {  	p0 =	sne.s32 s5, $0x0;
	_ =	strace $0x90000047  }
0x5a: {  	s0 =	sadd.s32 @!p0 $0x100000, s0;
	[bflag:$0x2] =	sbarrier.arrive $0xFFFF  }
0x5b: {  	[sflag:s0] =	ssyncadd.tile.s32 @!p0 $0x1;
	_ =	shalt  }
.Lfunc_end2:
_tile_overlayer_lowered:
.L_overlay_start_2:
0x5c: {  	(tag) =	ssettag $0x2  }
0x5d: {  	s0 =	rddreg [dreg:$0x0];
	s2 =	stileid.u32  }
0x5e: {  	s1 =	rddreg [dreg:$0x1];
	p0 =	sne.s32 s2, $0x0  }
0x5f: {  	s3 =	rddreg [dreg:$0x2];
	[bflag:$0x3] =	sbarrier.arrive $0xFFFF;
	s2 =	simm.s32 @!p0 $0x1C01  }
0x60: {  	[timem:s3], [sflag:s2] =	dma.local @!p0 [hbm:s0], s1  }
0x61: {  	s0 =	simm.s32 @!p0 $0x1  }
0x62: {  	_ =	swait.ge @!p0 [sflag:s0], s1  }
0x63: {  	s1 =	ssub.s32 @!p0 $0x0, s1;
	[sflag:s0] =	ssyncset.done @!p0 $0x0  }
0x64: {  	[sflag:s0] =	ssyncadd.s32 @!p0 s1  }
0x65: {  	[bflag:$0x3] =	sbarrier.arrive $0xFFFF  }
0x66: {  	_ =	shalt  }

</sc_bundles>
